<compile_context>
chip_gen: v7x
topology: tpu7x:2x2x1
jax: 0.10.2.dev20260603
libtpu: 0.0.44.dev20260713+nightly
codegen_flags: <defaults>
</compile_context>

<pallas_src>
import functools

import jax
import jax.numpy as jnp
from jax import lax
from jax.experimental import pallas as pl
from jax.experimental.pallas import tpu as pltpu
from jax.experimental.pallas import tpu_sc as plsc

N_NODES = 10000
N_PAD = 10240
E = 320000
NW = 32
NS = 16
L = 16
CH = N_PAD // NS
UNROLL = 8

W0 = 12928
W1 = 7168
G0 = W0 // L
G1 = W1 // L
WSUM = W0 + W1
CORE1_BASE = NS * W0
OVL_G = (NS * WSUM - E) // L
PAD_NODE = 10016
WMAX = max(W0, W1)


def _pad_window(edges):
    pv = jnp.full((L,), PAD_NODE, jnp.int32)

    @plsc.parallel_loop(0, OVL_G, unroll=UNROLL)
    def pad_body(j):
        edges[0, pl.ds(j * L, L)] = pv
        edges[1, pl.ds(j * L, L)] = pv


def _newton_rsqrt(x):
    xi = lax.bitcast_convert_type(x, jnp.int32)
    yi = jnp.int32(0x5F3759DF) - lax.shift_right_logical(xi, 1)
    y = lax.bitcast_convert_type(yi, jnp.float32)
    hx = x * 0.5
    y = y * (1.5 - hx * y * y)
    y = y * (1.5 - hx * y * y)
    y = y * (1.5 - hx * y * y)
    return y


@functools.partial(
    pl.kernel,
    out_type=[jax.ShapeDtypeStruct((NW, N_PAD), jnp.float32),
              jax.ShapeDtypeStruct((NW, N_PAD), jnp.float32)],
    mesh=plsc.VectorSubcoreMesh(core_axis_name="c", subcore_axis_name="s"),
    compiler_params=pltpu.CompilerParams(needs_layout_passes=False),
    scratch_types=[
        pltpu.VMEM((2, WMAX), jnp.int32),
        pltpu.VMEM((2, WMAX), jnp.int32),
        pltpu.VMEM((N_PAD,), jnp.float32),
        pltpu.VMEM((N_PAD,), jnp.float32),
        pltpu.VMEM((N_PAD,), jnp.float32),
        pltpu.VMEM((NS, CH), jnp.float32),
        pltpu.VMEM((CH,), jnp.float32),
        pltpu.VMEM_SHARED((NS, N_PAD), jnp.float32),
        pltpu.VMEM_SHARED((N_PAD,), jnp.float32),
        pltpu.SemaphoreType.DMA,
    ],
)
def _sc_gcn(ei_hbm, deg_hbm, c_hbm, edges, edges2, hs, hd, nd, blk, ndc,
            shr, shrn, sem):
    cid = lax.axis_index("c")
    sid = lax.axis_index("s")
    wid = cid * NS + sid
    base0 = sid * W0
    base1 = jnp.minimum(CORE1_BASE + sid * W1, E - W1)
    last1 = sid == NS - 1

    zf = jnp.zeros((L,), jnp.float32)
    ones = jnp.ones((L,), jnp.float32)

    def _phase_a(w_own, w_sib, own_b, sib_b, pad_own, pad_sib):
        cp2 = pltpu.async_copy(
            ei_hbm.at[:, pl.ds(sib_b, w_sib)], edges2.at[:, :w_sib], sem)
        pltpu.sync_copy(ei_hbm.at[:, pl.ds(own_b, w_own)],
                        edges.at[:, :w_own])

        @pl.when(pad_own)
        def _():
            _pad_window(edges)

        @plsc.parallel_loop(0, N_PAD // L, unroll=UNROLL)
        def zero_body(j):
            hs[pl.ds(j * L, L)] = zf
            hd[pl.ds(j * L, L)] = zf

        @plsc.parallel_loop(0, w_own // L, unroll=UNROLL)
        def edge_body_a(i):
            plsc.addupdate_scatter(hs, [edges[0, pl.ds(i * L, L)]], ones)
            plsc.addupdate_scatter(hd, [edges[1, pl.ds(i * L, L)]], ones)

        cp2.wait()

        @pl.when(pad_sib)
        def _():
            _pad_window(edges2)

        @plsc.parallel_loop(0, w_sib // L, unroll=UNROLL)
        def edge_body_b(i):
            plsc.addupdate_scatter(hd, [edges2[1, pl.ds(i * L, L)]], ones)

    never = sid < 0
    @pl.when(cid == 0)
    def _():
        _phase_a(W0, W1, base0, base1, never, last1)

    @pl.when(cid == 1)
    def _():
        _phase_a(W1, W0, base1, base0, last1, never)

    pltpu.sync_copy(hd, shr.at[sid])
    pltpu.sync_copy(hs, deg_hbm.at[wid])
    plsc.subcore_barrier()
    col0 = sid * CH
    pltpu.sync_copy(shr.at[:, pl.ds(col0, CH)], blk)

    @plsc.parallel_loop(0, CH // L, unroll=2)
    def red_body(k):
        d = blk[0, pl.ds(k * L, L)]
        for r in range(1, NS):
            d = d + blk[r, pl.ds(k * L, L)]
        ndc[pl.ds(k * L, L)] = _newton_rsqrt(jnp.maximum(d, 1.0))

    pltpu.sync_copy(ndc, shrn.at[pl.ds(col0, CH)])

    @plsc.parallel_loop(0, N_PAD // L, unroll=UNROLL)
    def zero_body2(j):
        hs[pl.ds(j * L, L)] = zf

    plsc.subcore_barrier()
    pltpu.sync_copy(shrn, nd)

    @pl.when(cid == 0)
    def _():
        @plsc.parallel_loop(0, G0, unroll=UNROLL)
        def edge_body2(i):
            v = plsc.load_gather(nd, [edges[1, pl.ds(i * L, L)]])
            plsc.addupdate_scatter(hs, [edges[0, pl.ds(i * L, L)]], v)

    @pl.when(cid == 1)
    def _():
        @plsc.parallel_loop(0, G1, unroll=UNROLL)
        def edge_body2(i):
            v = plsc.load_gather(nd, [edges[1, pl.ds(i * L, L)]])
            plsc.addupdate_scatter(hs, [edges[0, pl.ds(i * L, L)]], v)

    pltpu.sync_copy(hs, c_hbm.at[wid])


def _final_body(degp_ref, cp_ref, f_ref, w1_ref, b1_ref, w2_ref, b2_ref,
                w3_ref, b3_ref, out_ref):
    dsum = jnp.sum(degp_ref[...], axis=0)[None, :]
    ns = lax.rsqrt(jnp.maximum(dsum, 1.0))
    c = jnp.sum(cp_ref[...], axis=0)[None, :] * ns
    cs = c[:, :N_NODES]
    pooled = jnp.dot(cs, f_ref[...], preferred_element_type=jnp.float32)
    pooled = pooled * (1.0 / N_NODES)
    g = jnp.dot(pooled, w1_ref[...], preferred_element_type=jnp.float32) + b1_ref[...][None, :]
    h = jnp.dot(g, w2_ref[...], preferred_element_type=jnp.float32) + b2_ref[...][None, :]
    h = jnp.maximum(h, 0.0)
    o = jnp.dot(h, w3_ref[...], preferred_element_type=jnp.float32) + b3_ref[...][None, :]
    out_ref[...] = jax.nn.sigmoid(o)


def kernel(features, edge_index, W1, b1, W2, b2, W3, b3):
    ei = edge_index.astype(jnp.int32)
    deg_parts, c_parts = _sc_gcn(ei)
    out = pl.pallas_call(
        _final_body,
        out_shape=jax.ShapeDtypeStruct((1, 1), jnp.float32),
    )(deg_parts, c_parts, features, W1, b1, W2, b2, W3, b3)
    return out

# --- scband reference (transcript-rebuilt; emitter-appended) ---
"""Pipeline reference for scband-gcn-12678743458262 (READ-ONLY COPY).

The authoritative reference and input builder live on the scoring server;
editing this copy changes nothing except your own understanding.
"""

import jax, jax.numpy as jnp
import numpy as np

N_NODES = 10000
N_EDGES = 320000
IN_FEAT = 128
HIDDEN1 = 256
HIDDEN2 = 128
OUTPUT = 1


def setup_inputs(seed: int = 0) -> dict:
    key = jax.random.key(seed)
    ks = jax.random.split(key, 8)
    features = jax.random.normal(ks[0], (N_NODES, IN_FEAT), dtype=jnp.float32)
    edge_index = jax.random.randint(ks[1], (2, N_EDGES), 0, N_NODES, dtype=jnp.int64)
    # GraphConv weight (DGL layout: [in_feats, out_feats]) + bias
    W1 = jax.random.normal(ks[2], (IN_FEAT, HIDDEN1), dtype=jnp.float32) * (1.0 / np.sqrt(IN_FEAT))
    b1 = jnp.zeros((HIDDEN1,), dtype=jnp.float32)
    # hidden Linear
    W2 = jax.random.normal(ks[3], (HIDDEN1, HIDDEN2), dtype=jnp.float32) * (1.0 / np.sqrt(HIDDEN1))
    b2 = jnp.zeros((HIDDEN2,), dtype=jnp.float32)
    # output Linear
    W3 = jax.random.normal(ks[4], (HIDDEN2, OUTPUT), dtype=jnp.float32) * (1.0 / np.sqrt(HIDDEN2))
    b3 = jnp.zeros((OUTPUT,), dtype=jnp.float32)
    return {"features": features, "edge_index": edge_index,
            "W1": W1, "b1": b1, "W2": W2, "b2": b2, "W3": W3, "b3": b3}


def _graph_conv(features, edge_index, W, b):
    # DGL GraphConv with norm='both': out = D_dst^{-1/2} * A * (D_src^{-1/2} * X) * W + b
    src = edge_index[0]
    dst = edge_index[1]
    n = features.shape[0]
    ones = jnp.ones((src.shape[0],), dtype=jnp.float32)
    deg_out = jax.ops.segment_sum(ones, src, num_segments=n)
    deg_in = jax.ops.segment_sum(ones, dst, num_segments=n)
    norm_src = jax.lax.rsqrt(jnp.maximum(deg_out, 1.0))
    norm_dst = jax.lax.rsqrt(jnp.maximum(deg_in, 1.0))
    # weight first (in_feats >= out_feats path doesn't apply; math is equivalent)
    h = features * norm_src[:, None]
    msgs = jnp.take(h, src, axis=0)          # gather per-edge messages
    agg = jnp.zeros((n, h.shape[1]), dtype=h.dtype).at[dst].add(msgs)  # scatter-add
    agg = agg * norm_dst[:, None]
    return agg @ W + b


def reference(features, edge_index, W1, b1, W2, b2, W3, b3):
    x = _graph_conv(features, edge_index, W1, b1)   # [N, hidden1]
    g = jnp.mean(x, axis=0, keepdims=True)          # dgl.mean_nodes over single graph -> [1, hidden1]
    x = g @ W2 + b2
    x = jax.nn.relu(x)
    x = x @ W3 + b3
    x = jax.nn.sigmoid(x)                           # [1, 1]
    return x

if __name__ == "__main__":
    import jax
    _d = setup_inputs()
    print(jax.jit(kernel)(*tuple(_d.values())))

</pallas_src>

<mosaic_0001>
#map = affine_map<(d0, d1) -> (0, 0)>
module attributes {stable_mosaic.version = 14 : i64} {
  func.func @_sc_gcn(%arg0: i32, %arg1: i32, %arg2: memref<2x320000xi32, #tpu.memory_space<hbm>>, %arg3: memref<32x10240xf32, #tpu.memory_space<hbm>>, %arg4: memref<32x10240xf32, #tpu.memory_space<hbm>>, %arg5: memref<2x12928xi32, #tpu.memory_space<vmem>>, %arg6: memref<2x12928xi32, #tpu.memory_space<vmem>>, %arg7: memref<10240xf32, #tpu.memory_space<vmem>>, %arg8: memref<10240xf32, #tpu.memory_space<vmem>>, %arg9: memref<10240xf32, #tpu.memory_space<vmem>>, %arg10: memref<16x640xf32, #tpu.memory_space<vmem>>, %arg11: memref<640xf32, #tpu.memory_space<vmem>>, %arg12: memref<16x10240xf32, #tpu.memory_space<vmem_shared>>, %arg13: memref<10240xf32, #tpu.memory_space<vmem_shared>>, %arg14: memref<!tpu.dma_semaphore, #tpu.memory_space<semaphore_mem>>) attributes {dimension_semantics = [#tpu.dimension_semantics<core_parallel>, #tpu.dimension_semantics<subcore_parallel>], iteration_bounds = array<i64: 2, 16>, scalar_prefetch = 0 : i64, scratch_operands = 10 : i64, tpu.core_type = #tpu.core_type<sc_vector_subcore>, window_params = [{transform_indices = #map}, {transform_indices = #map}, {transform_indices = #map}]} {
    %mul3A = arith.constant 16 : i32
    %mul3A_0 = arith.muli %arg0, %mul3A : i32
    %add3A = arith.addi %mul3A_0, %arg1 : i32
    %mul3A_1 = arith.constant 12928 : i32
    %mul3A_2 = arith.muli %arg1, %mul3A_1 : i32
    %mul3A_3 = arith.constant 7168 : i32
    %mul3A_4 = arith.muli %arg1, %mul3A_3 : i32
    %add3A_5 = arith.constant 206848 : i32
    %add3A_6 = arith.addi %add3A_5, %mul3A_4 : i32
    %min3A = arith.constant 312832 : i32
    %min3A_7 = arith.minsi %add3A_6, %min3A : i32
    %eq3A = arith.constant 15 : i32
    %eq3A_8 = arith.cmpi eq, %arg1, %eq3A : i32
    %broadcast_in_dim3A = arith.constant 0.000000e+00 : f32
    %broadcast_in_dim3A_9 = vector.broadcast %broadcast_in_dim3A : f32 to vector<16xf32>
    %broadcast_in_dim3A_10 = arith.constant 1.000000e+00 : f32
    %broadcast_in_dim3A_11 = vector.broadcast %broadcast_in_dim3A_10 : f32 to vector<16xf32>
    %lt3A = arith.constant 0 : i32
    %lt3A_12 = arith.cmpi slt, %arg1, %lt3A : i32
    %eq3A_13 = arith.constant 0 : i32
    %eq3A_14 = arith.cmpi eq, %arg0, %eq3A_13 : i32
    %convert_element_type3A = arith.extui %eq3A_14 : i1 to i32
    %cond3A = arith.constant 0 : i32
    %cond3A_15 = arith.cmpi ne, %convert_element_type3A, %cond3A : i32
    scf.if %cond3A_15 {
      %dma_start3A = arith.constant 0 : i32
      %dma_start3A_39 = arith.constant 0 : i32
      %dma_start3A_40 = tpu.memref_slice %arg6[%dma_start3A, %dma_start3A_39] : memref<2x12928xi32, #tpu.memory_space<vmem>> -> memref<2x7168xi32, #tpu.memory_space<vmem>>
      %dma_start3A_41 = arith.constant 0 : i32
      %dma_start3A_42 = tpu.memref_slice %arg2[%dma_start3A_41, %min3A_7] : memref<2x320000xi32, #tpu.memory_space<hbm>> -> memref<2x7168xi32, #tpu.memory_space<hbm>>
      %dma_start3A_43 = arith.constant 0 : i32
      %dma_start3A_44 = arith.constant 0 : i32
      %dma_start3A_45 = tpu.memref_slice %arg6[%dma_start3A_43, %dma_start3A_44] : memref<2x12928xi32, #tpu.memory_space<vmem>> -> memref<2x7168xi32, #tpu.memory_space<vmem>>
      %dma_start3A_46 = arith.constant 0 : i32
      %dma_start3A_47 = tpu.memref_slice %arg2[%dma_start3A_46, %min3A_7] : memref<2x320000xi32, #tpu.memory_space<hbm>> -> memref<2x7168xi32, #tpu.memory_space<hbm>>
      tpu.enqueue_dma source(%dma_start3A_47 : memref<2x7168xi32, #tpu.memory_space<hbm>>) target(%dma_start3A_45 : memref<2x7168xi32, #tpu.memory_space<vmem>>) target_semaphore(%arg14 : memref<!tpu.dma_semaphore, #tpu.memory_space<semaphore_mem>>)
      "tpu.region"() ({
        %run_scoped3A = tpu.sem_alloc : memref<!tpu.dma_semaphore, #tpu.memory_space<semaphore_mem>>
        %dma_start3A_72 = arith.constant 0 : i32
        %dma_start3A_73 = arith.constant 0 : i32
        %dma_start3A_74 = tpu.memref_slice %arg5[%dma_start3A_72, %dma_start3A_73] : memref<2x12928xi32, #tpu.memory_space<vmem>> -> memref<2x12928xi32, #tpu.memory_space<vmem>>
        %dma_start3A_75 = arith.constant 0 : i32
        %dma_start3A_76 = tpu.memref_slice %arg2[%dma_start3A_75, %mul3A_2] : memref<2x320000xi32, #tpu.memory_space<hbm>> -> memref<2x12928xi32, #tpu.memory_space<hbm>>
        %dma_start3A_77 = arith.constant 0 : i32
        %dma_start3A_78 = arith.constant 0 : i32
        %dma_start3A_79 = tpu.memref_slice %arg5[%dma_start3A_77, %dma_start3A_78] : memref<2x12928xi32, #tpu.memory_space<vmem>> -> memref<2x12928xi32, #tpu.memory_space<vmem>>
        %dma_start3A_80 = arith.constant 0 : i32
        %dma_start3A_81 = tpu.memref_slice %arg2[%dma_start3A_80, %mul3A_2] : memref<2x320000xi32, #tpu.memory_space<hbm>> -> memref<2x12928xi32, #tpu.memory_space<hbm>>
        tpu.enqueue_dma source(%dma_start3A_81 : memref<2x12928xi32, #tpu.memory_space<hbm>>) target(%dma_start3A_79 : memref<2x12928xi32, #tpu.memory_space<vmem>>) target_semaphore(%run_scoped3A : memref<!tpu.dma_semaphore, #tpu.memory_space<semaphore_mem>>)
        %dma_wait3A_82 = arith.constant 0 : i32
        %dma_wait3A_83 = arith.constant 0 : i32
        %dma_wait3A_84 = tpu.memref_slice %arg5[%dma_wait3A_82, %dma_wait3A_83] : memref<2x12928xi32, #tpu.memory_space<vmem>> -> memref<2x12928xi32, #tpu.memory_space<vmem>>
        %dma_wait3A_85 = arith.constant 0 : i32
        %dma_wait3A_86 = tpu.memref_slice %arg2[%dma_wait3A_85, %mul3A_2] : memref<2x320000xi32, #tpu.memory_space<hbm>> -> memref<2x12928xi32, #tpu.memory_space<hbm>>
        %dma_wait3A_87 = arith.constant 0 : i32
        %dma_wait3A_88 = arith.constant 0 : i32
        %dma_wait3A_89 = tpu.memref_slice %arg5[%dma_wait3A_87, %dma_wait3A_88] : memref<2x12928xi32, #tpu.memory_space<vmem>> -> memref<2x12928xi32, #tpu.memory_space<vmem>>
        %dma_wait3A_90 = arith.constant 0 : i32
        %dma_wait3A_91 = tpu.memref_slice %arg2[%dma_wait3A_90, %mul3A_2] : memref<2x320000xi32, #tpu.memory_space<hbm>> -> memref<2x12928xi32, #tpu.memory_space<hbm>>
        tpu.wait_dma2 semaphore(%run_scoped3A : memref<!tpu.dma_semaphore, #tpu.memory_space<semaphore_mem>>) src(%dma_wait3A_91 : memref<2x12928xi32, #tpu.memory_space<hbm>>) dst(%dma_wait3A_89 : memref<2x12928xi32, #tpu.memory_space<vmem>>)
        tpu.yield
      }) : () -> ()
      %convert_element_type3A_48 = arith.extui %lt3A_12 : i1 to i32
      %cond3A_49 = arith.constant 0 : i32
      %cond3A_50 = arith.cmpi ne, %convert_element_type3A_48, %cond3A_49 : i32
      scf.if %cond3A_50 {
        %broadcast_in_dim3A_72 = arith.constant 10016 : i32
        %broadcast_in_dim3A_73 = vector.broadcast %broadcast_in_dim3A_72 : i32 to vector<16xi32>
        %parallel_loop3A_74 = arith.constant 0 : i32
        %parallel_loop3A_75 = arith.constant 96 : i32
        %parallel_loop3A_76 = arith.constant 1 : i32
        scf.for %parallel_loop3A_77 = %parallel_loop3A_74 to %parallel_loop3A_75 step %parallel_loop3A_76  : i32 {
          %parallel_loop3A_78 = arith.constant 16 : i32
          %parallel_loop3A_79 = arith.muli %parallel_loop3A_77, %parallel_loop3A_78 : i32
          %parallel_loop3A_80 = arith.constant 0 : i32
          %parallel_loop3A_81 = arith.index_cast %parallel_loop3A_80 : i32 to index
          %parallel_loop3A_82 = arith.index_cast %parallel_loop3A_79 : i32 to index
          %parallel_loop3A_83 = tpu.vector_load %arg5[%parallel_loop3A_81, %parallel_loop3A_82] {strides = array<i32>} : memref<2x12928xi32, #tpu.memory_space<vmem>>, vector<16xi32>,
          tpu.vector_store %arg5[%parallel_loop3A_81, %parallel_loop3A_82], %broadcast_in_dim3A_73 {strides = array<i32>} : memref<2x12928xi32, #tpu.memory_space<vmem>>, vector<16xi32>,
          %parallel_loop3A_84 = arith.constant 16 : i32
          %parallel_loop3A_85 = arith.muli %parallel_loop3A_77, %parallel_loop3A_84 : i32
          %parallel_loop3A_86 = arith.constant 1 : i32
          %parallel_loop3A_87 = arith.index_cast %parallel_loop3A_86 : i32 to index
          %parallel_loop3A_88 = arith.index_cast %parallel_loop3A_85 : i32 to index
          %parallel_loop3A_89 = tpu.vector_load %arg5[%parallel_loop3A_87, %parallel_loop3A_88] {strides = array<i32>} : memref<2x12928xi32, #tpu.memory_space<vmem>>, vector<16xi32>,
          tpu.vector_store %arg5[%parallel_loop3A_87, %parallel_loop3A_88], %broadcast_in_dim3A_73 {strides = array<i32>} : memref<2x12928xi32, #tpu.memory_space<vmem>>, vector<16xi32>,
        } {sc.loop_unroll_factor = 8 : i64, sc.parallel_access}
      } else {
      }
      %parallel_loop3A_51 = arith.constant 0 : i32
      %parallel_loop3A_52 = arith.constant 640 : i32
      %parallel_loop3A_53 = arith.constant 1 : i32
      scf.for %parallel_loop3A_72 = %parallel_loop3A_51 to %parallel_loop3A_52 step %parallel_loop3A_53  : i32 {
        %parallel_loop3A_73 = arith.constant 16 : i32
        %parallel_loop3A_74 = arith.muli %parallel_loop3A_72, %parallel_loop3A_73 : i32
        %parallel_loop3A_75 = arith.index_cast %parallel_loop3A_74 : i32 to index
        %parallel_loop3A_76 = tpu.vector_load %arg7[%parallel_loop3A_75] {strides = array<i32>} : memref<10240xf32, #tpu.memory_space<vmem>>, vector<16xf32>,
        tpu.vector_store %arg7[%parallel_loop3A_75], %broadcast_in_dim3A_9 {strides = array<i32>} : memref<10240xf32, #tpu.memory_space<vmem>>, vector<16xf32>,
        %parallel_loop3A_77 = arith.constant 16 : i32
        %parallel_loop3A_78 = arith.muli %parallel_loop3A_72, %parallel_loop3A_77 : i32
        %parallel_loop3A_79 = arith.index_cast %parallel_loop3A_78 : i32 to index
        %parallel_loop3A_80 = tpu.vector_load %arg8[%parallel_loop3A_79] {strides = array<i32>} : memref<10240xf32, #tpu.memory_space<vmem>>, vector<16xf32>,
        tpu.vector_store %arg8[%parallel_loop3A_79], %broadcast_in_dim3A_9 {strides = array<i32>} : memref<10240xf32, #tpu.memory_space<vmem>>, vector<16xf32>,
      } {sc.loop_unroll_factor = 8 : i64, sc.parallel_access}
      %parallel_loop3A_54 = arith.constant 0 : i32
      %parallel_loop3A_55 = arith.constant 808 : i32
      %parallel_loop3A_56 = arith.constant 1 : i32
      scf.for %parallel_loop3A_72 = %parallel_loop3A_54 to %parallel_loop3A_55 step %parallel_loop3A_56  : i32 {
        %parallel_loop3A_73 = arith.constant 16 : i32
        %parallel_loop3A_74 = arith.muli %parallel_loop3A_72, %parallel_loop3A_73 : i32
        %parallel_loop3A_75 = arith.constant 0 : i32
        %parallel_loop3A_76 = arith.index_cast %parallel_loop3A_75 : i32 to index
        %parallel_loop3A_77 = arith.index_cast %parallel_loop3A_74 : i32 to index
        %parallel_loop3A_78 = tpu.vector_load %arg5[%parallel_loop3A_76, %parallel_loop3A_77] {strides = array<i32>} : memref<2x12928xi32, #tpu.memory_space<vmem>>, vector<16xi32>,
        tpu.vector_store_idx %arg7[%parallel_loop3A_78], %broadcast_in_dim3A_11 {add = true} : memref<10240xf32, #tpu.memory_space<vmem>>[vector<16xi32>], vector<16xf32>,
        %parallel_loop3A_79 = arith.constant 16 : i32
        %parallel_loop3A_80 = arith.muli %parallel_loop3A_72, %parallel_loop3A_79 : i32
        %parallel_loop3A_81 = arith.constant 1 : i32
        %parallel_loop3A_82 = arith.index_cast %parallel_loop3A_81 : i32 to index
        %parallel_loop3A_83 = arith.index_cast %parallel_loop3A_80 : i32 to index
        %parallel_loop3A_84 = tpu.vector_load %arg5[%parallel_loop3A_82, %parallel_loop3A_83] {strides = array<i32>} : memref<2x12928xi32, #tpu.memory_space<vmem>>, vector<16xi32>,
        tpu.vector_store_idx %arg8[%parallel_loop3A_84], %broadcast_in_dim3A_11 {add = true} : memref<10240xf32, #tpu.memory_space<vmem>>[vector<16xi32>], vector<16xf32>,
      } {sc.loop_unroll_factor = 8 : i64, sc.parallel_access}
      %dma_wait3A = arith.constant 0 : i32
      %dma_wait3A_57 = arith.constant 0 : i32
      %dma_wait3A_58 = tpu.memref_slice %arg6[%dma_wait3A, %dma_wait3A_57] : memref<2x12928xi32, #tpu.memory_space<vmem>> -> memref<2x7168xi32, #tpu.memory_space<vmem>>
      %dma_wait3A_59 = arith.constant 0 : i32
      %dma_wait3A_60 = tpu.memref_slice %arg2[%dma_wait3A_59, %min3A_7] : memref<2x320000xi32, #tpu.memory_space<hbm>> -> memref<2x7168xi32, #tpu.memory_space<hbm>>
      %dma_wait3A_61 = arith.constant 0 : i32
      %dma_wait3A_62 = arith.constant 0 : i32
      %dma_wait3A_63 = tpu.memref_slice %arg6[%dma_wait3A_61, %dma_wait3A_62] : memref<2x12928xi32, #tpu.memory_space<vmem>> -> memref<2x7168xi32, #tpu.memory_space<vmem>>
      %dma_wait3A_64 = arith.constant 0 : i32
      %dma_wait3A_65 = tpu.memref_slice %arg2[%dma_wait3A_64, %min3A_7] : memref<2x320000xi32, #tpu.memory_space<hbm>> -> memref<2x7168xi32, #tpu.memory_space<hbm>>
      tpu.wait_dma2 semaphore(%arg14 : memref<!tpu.dma_semaphore, #tpu.memory_space<semaphore_mem>>) src(%dma_wait3A_65 : memref<2x7168xi32, #tpu.memory_space<hbm>>) dst(%dma_wait3A_63 : memref<2x7168xi32, #tpu.memory_space<vmem>>)
      %convert_element_type3A_66 = arith.extui %eq3A_8 : i1 to i32
      %cond3A_67 = arith.constant 0 : i32
      %cond3A_68 = arith.cmpi ne, %convert_element_type3A_66, %cond3A_67 : i32
      scf.if %cond3A_68 {
        %broadcast_in_dim3A_72 = arith.constant 10016 : i32
        %broadcast_in_dim3A_73 = vector.broadcast %broadcast_in_dim3A_72 : i32 to vector<16xi32>
        %parallel_loop3A_74 = arith.constant 0 : i32
        %parallel_loop3A_75 = arith.constant 96 : i32
        %parallel_loop3A_76 = arith.constant 1 : i32
        scf.for %parallel_loop3A_77 = %parallel_loop3A_74 to %parallel_loop3A_75 step %parallel_loop3A_76  : i32 {
          %parallel_loop3A_78 = arith.constant 16 : i32
          %parallel_loop3A_79 = arith.muli %parallel_loop3A_77, %parallel_loop3A_78 : i32
          %parallel_loop3A_80 = arith.constant 0 : i32
          %parallel_loop3A_81 = arith.index_cast %parallel_loop3A_80 : i32 to index
          %parallel_loop3A_82 = arith.index_cast %parallel_loop3A_79 : i32 to index
          %parallel_loop3A_83 = tpu.vector_load %arg6[%parallel_loop3A_81, %parallel_loop3A_82] {strides = array<i32>} : memref<2x12928xi32, #tpu.memory_space<vmem>>, vector<16xi32>,
          tpu.vector_store %arg6[%parallel_loop3A_81, %parallel_loop3A_82], %broadcast_in_dim3A_73 {strides = array<i32>} : memref<2x12928xi32, #tpu.memory_space<vmem>>, vector<16xi32>,
          %parallel_loop3A_84 = arith.constant 16 : i32
          %parallel_loop3A_85 = arith.muli %parallel_loop3A_77, %parallel_loop3A_84 : i32
          %parallel_loop3A_86 = arith.constant 1 : i32
          %parallel_loop3A_87 = arith.index_cast %parallel_loop3A_86 : i32 to index
          %parallel_loop3A_88 = arith.index_cast %parallel_loop3A_85 : i32 to index
          %parallel_loop3A_89 = tpu.vector_load %arg6[%parallel_loop3A_87, %parallel_loop3A_88] {strides = array<i32>} : memref<2x12928xi32, #tpu.memory_space<vmem>>, vector<16xi32>,
          tpu.vector_store %arg6[%parallel_loop3A_87, %parallel_loop3A_88], %broadcast_in_dim3A_73 {strides = array<i32>} : memref<2x12928xi32, #tpu.memory_space<vmem>>, vector<16xi32>,
        } {sc.loop_unroll_factor = 8 : i64, sc.parallel_access}
      } else {
      }
      %parallel_loop3A_69 = arith.constant 0 : i32
      %parallel_loop3A_70 = arith.constant 448 : i32
      %parallel_loop3A_71 = arith.constant 1 : i32
      scf.for %parallel_loop3A_72 = %parallel_loop3A_69 to %parallel_loop3A_70 step %parallel_loop3A_71  : i32 {
        %parallel_loop3A_73 = arith.constant 16 : i32
        %parallel_loop3A_74 = arith.muli %parallel_loop3A_72, %parallel_loop3A_73 : i32
        %parallel_loop3A_75 = arith.constant 1 : i32
        %parallel_loop3A_76 = arith.index_cast %parallel_loop3A_75 : i32 to index
        %parallel_loop3A_77 = arith.index_cast %parallel_loop3A_74 : i32 to index
        %parallel_loop3A_78 = tpu.vector_load %arg6[%parallel_loop3A_76, %parallel_loop3A_77] {strides = array<i32>} : memref<2x12928xi32, #tpu.memory_space<vmem>>, vector<16xi32>,
        tpu.vector_store_idx %arg8[%parallel_loop3A_78], %broadcast_in_dim3A_11 {add = true} : memref<10240xf32, #tpu.memory_space<vmem>>[vector<16xi32>], vector<16xf32>,
      } {sc.loop_unroll_factor = 8 : i64, sc.parallel_access}
    } else {
    }
    %eq3A_16 = arith.constant 1 : i32
    %eq3A_17 = arith.cmpi eq, %arg0, %eq3A_16 : i32
    %convert_element_type3A_18 = arith.extui %eq3A_17 : i1 to i32
    %cond3A_19 = arith.constant 0 : i32
    %cond3A_20 = arith.cmpi ne, %convert_element_type3A_18, %cond3A_19 : i32
    scf.if %cond3A_20 {
      %dma_start3A = arith.constant 0 : i32
      %dma_start3A_39 = arith.constant 0 : i32
      %dma_start3A_40 = tpu.memref_slice %arg6[%dma_start3A, %dma_start3A_39] : memref<2x12928xi32, #tpu.memory_space<vmem>> -> memref<2x12928xi32, #tpu.memory_space<vmem>>
      %dma_start3A_41 = arith.constant 0 : i32
      %dma_start3A_42 = tpu.memref_slice %arg2[%dma_start3A_41, %mul3A_2] : memref<2x320000xi32, #tpu.memory_space<hbm>> -> memref<2x12928xi32, #tpu.memory_space<hbm>>
      %dma_start3A_43 = arith.constant 0 : i32
      %dma_start3A_44 = arith.constant 0 : i32
      %dma_start3A_45 = tpu.memref_slice %arg6[%dma_start3A_43, %dma_start3A_44] : memref<2x12928xi32, #tpu.memory_space<vmem>> -> memref<2x12928xi32, #tpu.memory_space<vmem>>
      %dma_start3A_46 = arith.constant 0 : i32
      %dma_start3A_47 = tpu.memref_slice %arg2[%dma_start3A_46, %mul3A_2] : memref<2x320000xi32, #tpu.memory_space<hbm>> -> memref<2x12928xi32, #tpu.memory_space<hbm>>
      tpu.enqueue_dma source(%dma_start3A_47 : memref<2x12928xi32, #tpu.memory_space<hbm>>) target(%dma_start3A_45 : memref<2x12928xi32, #tpu.memory_space<vmem>>) target_semaphore(%arg14 : memref<!tpu.dma_semaphore, #tpu.memory_space<semaphore_mem>>)
      "tpu.region"() ({
        %run_scoped3A = tpu.sem_alloc : memref<!tpu.dma_semaphore, #tpu.memory_space<semaphore_mem>>
        %dma_start3A_72 = arith.constant 0 : i32
        %dma_start3A_73 = arith.constant 0 : i32
        %dma_start3A_74 = tpu.memref_slice %arg5[%dma_start3A_72, %dma_start3A_73] : memref<2x12928xi32, #tpu.memory_space<vmem>> -> memref<2x7168xi32, #tpu.memory_space<vmem>>
        %dma_start3A_75 = arith.constant 0 : i32
        %dma_start3A_76 = tpu.memref_slice %arg2[%dma_start3A_75, %min3A_7] : memref<2x320000xi32, #tpu.memory_space<hbm>> -> memref<2x7168xi32, #tpu.memory_space<hbm>>
        %dma_start3A_77 = arith.constant 0 : i32
        %dma_start3A_78 = arith.constant 0 : i32
        %dma_start3A_79 = tpu.memref_slice %arg5[%dma_start3A_77, %dma_start3A_78] : memref<2x12928xi32, #tpu.memory_space<vmem>> -> memref<2x7168xi32, #tpu.memory_space<vmem>>
        %dma_start3A_80 = arith.constant 0 : i32
        %dma_start3A_81 = tpu.memref_slice %arg2[%dma_start3A_80, %min3A_7] : memref<2x320000xi32, #tpu.memory_space<hbm>> -> memref<2x7168xi32, #tpu.memory_space<hbm>>
        tpu.enqueue_dma source(%dma_start3A_81 : memref<2x7168xi32, #tpu.memory_space<hbm>>) target(%dma_start3A_79 : memref<2x7168xi32, #tpu.memory_space<vmem>>) target_semaphore(%run_scoped3A : memref<!tpu.dma_semaphore, #tpu.memory_space<semaphore_mem>>)
        %dma_wait3A_82 = arith.constant 0 : i32
        %dma_wait3A_83 = arith.constant 0 : i32
        %dma_wait3A_84 = tpu.memref_slice %arg5[%dma_wait3A_82, %dma_wait3A_83] : memref<2x12928xi32, #tpu.memory_space<vmem>> -> memref<2x7168xi32, #tpu.memory_space<vmem>>
        %dma_wait3A_85 = arith.constant 0 : i32
        %dma_wait3A_86 = tpu.memref_slice %arg2[%dma_wait3A_85, %min3A_7] : memref<2x320000xi32, #tpu.memory_space<hbm>> -> memref<2x7168xi32, #tpu.memory_space<hbm>>
        %dma_wait3A_87 = arith.constant 0 : i32
        %dma_wait3A_88 = arith.constant 0 : i32
        %dma_wait3A_89 = tpu.memref_slice %arg5[%dma_wait3A_87, %dma_wait3A_88] : memref<2x12928xi32, #tpu.memory_space<vmem>> -> memref<2x7168xi32, #tpu.memory_space<vmem>>
        %dma_wait3A_90 = arith.constant 0 : i32
        %dma_wait3A_91 = tpu.memref_slice %arg2[%dma_wait3A_90, %min3A_7] : memref<2x320000xi32, #tpu.memory_space<hbm>> -> memref<2x7168xi32, #tpu.memory_space<hbm>>
        tpu.wait_dma2 semaphore(%run_scoped3A : memref<!tpu.dma_semaphore, #tpu.memory_space<semaphore_mem>>) src(%dma_wait3A_91 : memref<2x7168xi32, #tpu.memory_space<hbm>>) dst(%dma_wait3A_89 : memref<2x7168xi32, #tpu.memory_space<vmem>>)
        tpu.yield
      }) : () -> ()
      %convert_element_type3A_48 = arith.extui %eq3A_8 : i1 to i32
      %cond3A_49 = arith.constant 0 : i32
      %cond3A_50 = arith.cmpi ne, %convert_element_type3A_48, %cond3A_49 : i32
      scf.if %cond3A_50 {
        %broadcast_in_dim3A_72 = arith.constant 10016 : i32
        %broadcast_in_dim3A_73 = vector.broadcast %broadcast_in_dim3A_72 : i32 to vector<16xi32>
        %parallel_loop3A_74 = arith.constant 0 : i32
        %parallel_loop3A_75 = arith.constant 96 : i32
        %parallel_loop3A_76 = arith.constant 1 : i32
        scf.for %parallel_loop3A_77 = %parallel_loop3A_74 to %parallel_loop3A_75 step %parallel_loop3A_76  : i32 {
          %parallel_loop3A_78 = arith.constant 16 : i32
          %parallel_loop3A_79 = arith.muli %parallel_loop3A_77, %parallel_loop3A_78 : i32
          %parallel_loop3A_80 = arith.constant 0 : i32
          %parallel_loop3A_81 = arith.index_cast %parallel_loop3A_80 : i32 to index
          %parallel_loop3A_82 = arith.index_cast %parallel_loop3A_79 : i32 to index
          %parallel_loop3A_83 = tpu.vector_load %arg5[%parallel_loop3A_81, %parallel_loop3A_82] {strides = array<i32>} : memref<2x12928xi32, #tpu.memory_space<vmem>>, vector<16xi32>,
          tpu.vector_store %arg5[%parallel_loop3A_81, %parallel_loop3A_82], %broadcast_in_dim3A_73 {strides = array<i32>} : memref<2x12928xi32, #tpu.memory_space<vmem>>, vector<16xi32>,
          %parallel_loop3A_84 = arith.constant 16 : i32
          %parallel_loop3A_85 = arith.muli %parallel_loop3A_77, %parallel_loop3A_84 : i32
          %parallel_loop3A_86 = arith.constant 1 : i32
          %parallel_loop3A_87 = arith.index_cast %parallel_loop3A_86 : i32 to index
          %parallel_loop3A_88 = arith.index_cast %parallel_loop3A_85 : i32 to index
          %parallel_loop3A_89 = tpu.vector_load %arg5[%parallel_loop3A_87, %parallel_loop3A_88] {strides = array<i32>} : memref<2x12928xi32, #tpu.memory_space<vmem>>, vector<16xi32>,
          tpu.vector_store %arg5[%parallel_loop3A_87, %parallel_loop3A_88], %broadcast_in_dim3A_73 {strides = array<i32>} : memref<2x12928xi32, #tpu.memory_space<vmem>>, vector<16xi32>,
        } {sc.loop_unroll_factor = 8 : i64, sc.parallel_access}
      } else {
      }
      %parallel_loop3A_51 = arith.constant 0 : i32
      %parallel_loop3A_52 = arith.constant 640 : i32
      %parallel_loop3A_53 = arith.constant 1 : i32
      scf.for %parallel_loop3A_72 = %parallel_loop3A_51 to %parallel_loop3A_52 step %parallel_loop3A_53  : i32 {
        %parallel_loop3A_73 = arith.constant 16 : i32
        %parallel_loop3A_74 = arith.muli %parallel_loop3A_72, %parallel_loop3A_73 : i32
        %parallel_loop3A_75 = arith.index_cast %parallel_loop3A_74 : i32 to index
        %parallel_loop3A_76 = tpu.vector_load %arg7[%parallel_loop3A_75] {strides = array<i32>} : memref<10240xf32, #tpu.memory_space<vmem>>, vector<16xf32>,
        tpu.vector_store %arg7[%parallel_loop3A_75], %broadcast_in_dim3A_9 {strides = array<i32>} : memref<10240xf32, #tpu.memory_space<vmem>>, vector<16xf32>,
        %parallel_loop3A_77 = arith.constant 16 : i32
        %parallel_loop3A_78 = arith.muli %parallel_loop3A_72, %parallel_loop3A_77 : i32
        %parallel_loop3A_79 = arith.index_cast %parallel_loop3A_78 : i32 to index
        %parallel_loop3A_80 = tpu.vector_load %arg8[%parallel_loop3A_79] {strides = array<i32>} : memref<10240xf32, #tpu.memory_space<vmem>>, vector<16xf32>,
        tpu.vector_store %arg8[%parallel_loop3A_79], %broadcast_in_dim3A_9 {strides = array<i32>} : memref<10240xf32, #tpu.memory_space<vmem>>, vector<16xf32>,
      } {sc.loop_unroll_factor = 8 : i64, sc.parallel_access}
      %parallel_loop3A_54 = arith.constant 0 : i32
      %parallel_loop3A_55 = arith.constant 448 : i32
      %parallel_loop3A_56 = arith.constant 1 : i32
      scf.for %parallel_loop3A_72 = %parallel_loop3A_54 to %parallel_loop3A_55 step %parallel_loop3A_56  : i32 {
        %parallel_loop3A_73 = arith.constant 16 : i32
        %parallel_loop3A_74 = arith.muli %parallel_loop3A_72, %parallel_loop3A_73 : i32
        %parallel_loop3A_75 = arith.constant 0 : i32
        %parallel_loop3A_76 = arith.index_cast %parallel_loop3A_75 : i32 to index
        %parallel_loop3A_77 = arith.index_cast %parallel_loop3A_74 : i32 to index
        %parallel_loop3A_78 = tpu.vector_load %arg5[%parallel_loop3A_76, %parallel_loop3A_77] {strides = array<i32>} : memref<2x12928xi32, #tpu.memory_space<vmem>>, vector<16xi32>,
        tpu.vector_store_idx %arg7[%parallel_loop3A_78], %broadcast_in_dim3A_11 {add = true} : memref<10240xf32, #tpu.memory_space<vmem>>[vector<16xi32>], vector<16xf32>,
        %parallel_loop3A_79 = arith.constant 16 : i32
        %parallel_loop3A_80 = arith.muli %parallel_loop3A_72, %parallel_loop3A_79 : i32
        %parallel_loop3A_81 = arith.constant 1 : i32
        %parallel_loop3A_82 = arith.index_cast %parallel_loop3A_81 : i32 to index
        %parallel_loop3A_83 = arith.index_cast %parallel_loop3A_80 : i32 to index
        %parallel_loop3A_84 = tpu.vector_load %arg5[%parallel_loop3A_82, %parallel_loop3A_83] {strides = array<i32>} : memref<2x12928xi32, #tpu.memory_space<vmem>>, vector<16xi32>,
        tpu.vector_store_idx %arg8[%parallel_loop3A_84], %broadcast_in_dim3A_11 {add = true} : memref<10240xf32, #tpu.memory_space<vmem>>[vector<16xi32>], vector<16xf32>,
      } {sc.loop_unroll_factor = 8 : i64, sc.parallel_access}
      %dma_wait3A = arith.constant 0 : i32
      %dma_wait3A_57 = arith.constant 0 : i32
      %dma_wait3A_58 = tpu.memref_slice %arg6[%dma_wait3A, %dma_wait3A_57] : memref<2x12928xi32, #tpu.memory_space<vmem>> -> memref<2x12928xi32, #tpu.memory_space<vmem>>
      %dma_wait3A_59 = arith.constant 0 : i32
      %dma_wait3A_60 = tpu.memref_slice %arg2[%dma_wait3A_59, %mul3A_2] : memref<2x320000xi32, #tpu.memory_space<hbm>> -> memref<2x12928xi32, #tpu.memory_space<hbm>>
      %dma_wait3A_61 = arith.constant 0 : i32
      %dma_wait3A_62 = arith.constant 0 : i32
      %dma_wait3A_63 = tpu.memref_slice %arg6[%dma_wait3A_61, %dma_wait3A_62] : memref<2x12928xi32, #tpu.memory_space<vmem>> -> memref<2x12928xi32, #tpu.memory_space<vmem>>
      %dma_wait3A_64 = arith.constant 0 : i32
      %dma_wait3A_65 = tpu.memref_slice %arg2[%dma_wait3A_64, %mul3A_2] : memref<2x320000xi32, #tpu.memory_space<hbm>> -> memref<2x12928xi32, #tpu.memory_space<hbm>>
      tpu.wait_dma2 semaphore(%arg14 : memref<!tpu.dma_semaphore, #tpu.memory_space<semaphore_mem>>) src(%dma_wait3A_65 : memref<2x12928xi32, #tpu.memory_space<hbm>>) dst(%dma_wait3A_63 : memref<2x12928xi32, #tpu.memory_space<vmem>>)
      %convert_element_type3A_66 = arith.extui %lt3A_12 : i1 to i32
      %cond3A_67 = arith.constant 0 : i32
      %cond3A_68 = arith.cmpi ne, %convert_element_type3A_66, %cond3A_67 : i32
      scf.if %cond3A_68 {
        %broadcast_in_dim3A_72 = arith.constant 10016 : i32
        %broadcast_in_dim3A_73 = vector.broadcast %broadcast_in_dim3A_72 : i32 to vector<16xi32>
        %parallel_loop3A_74 = arith.constant 0 : i32
        %parallel_loop3A_75 = arith.constant 96 : i32
        %parallel_loop3A_76 = arith.constant 1 : i32
        scf.for %parallel_loop3A_77 = %parallel_loop3A_74 to %parallel_loop3A_75 step %parallel_loop3A_76  : i32 {
          %parallel_loop3A_78 = arith.constant 16 : i32
          %parallel_loop3A_79 = arith.muli %parallel_loop3A_77, %parallel_loop3A_78 : i32
          %parallel_loop3A_80 = arith.constant 0 : i32
          %parallel_loop3A_81 = arith.index_cast %parallel_loop3A_80 : i32 to index
          %parallel_loop3A_82 = arith.index_cast %parallel_loop3A_79 : i32 to index
          %parallel_loop3A_83 = tpu.vector_load %arg6[%parallel_loop3A_81, %parallel_loop3A_82] {strides = array<i32>} : memref<2x12928xi32, #tpu.memory_space<vmem>>, vector<16xi32>,
          tpu.vector_store %arg6[%parallel_loop3A_81, %parallel_loop3A_82], %broadcast_in_dim3A_73 {strides = array<i32>} : memref<2x12928xi32, #tpu.memory_space<vmem>>, vector<16xi32>,
          %parallel_loop3A_84 = arith.constant 16 : i32
          %parallel_loop3A_85 = arith.muli %parallel_loop3A_77, %parallel_loop3A_84 : i32
          %parallel_loop3A_86 = arith.constant 1 : i32
          %parallel_loop3A_87 = arith.index_cast %parallel_loop3A_86 : i32 to index
          %parallel_loop3A_88 = arith.index_cast %parallel_loop3A_85 : i32 to index
          %parallel_loop3A_89 = tpu.vector_load %arg6[%parallel_loop3A_87, %parallel_loop3A_88] {strides = array<i32>} : memref<2x12928xi32, #tpu.memory_space<vmem>>, vector<16xi32>,
          tpu.vector_store %arg6[%parallel_loop3A_87, %parallel_loop3A_88], %broadcast_in_dim3A_73 {strides = array<i32>} : memref<2x12928xi32, #tpu.memory_space<vmem>>, vector<16xi32>,
        } {sc.loop_unroll_factor = 8 : i64, sc.parallel_access}
      } else {
      }
      %parallel_loop3A_69 = arith.constant 0 : i32
      %parallel_loop3A_70 = arith.constant 808 : i32
      %parallel_loop3A_71 = arith.constant 1 : i32
      scf.for %parallel_loop3A_72 = %parallel_loop3A_69 to %parallel_loop3A_70 step %parallel_loop3A_71  : i32 {
        %parallel_loop3A_73 = arith.constant 16 : i32
        %parallel_loop3A_74 = arith.muli %parallel_loop3A_72, %parallel_loop3A_73 : i32
        %parallel_loop3A_75 = arith.constant 1 : i32
        %parallel_loop3A_76 = arith.index_cast %parallel_loop3A_75 : i32 to index
        %parallel_loop3A_77 = arith.index_cast %parallel_loop3A_74 : i32 to index
        %parallel_loop3A_78 = tpu.vector_load %arg6[%parallel_loop3A_76, %parallel_loop3A_77] {strides = array<i32>} : memref<2x12928xi32, #tpu.memory_space<vmem>>, vector<16xi32>,
        tpu.vector_store_idx %arg8[%parallel_loop3A_78], %broadcast_in_dim3A_11 {add = true} : memref<10240xf32, #tpu.memory_space<vmem>>[vector<16xi32>], vector<16xf32>,
      } {sc.loop_unroll_factor = 8 : i64, sc.parallel_access}
    } else {
    }
    "tpu.region"() ({
      %run_scoped3A = tpu.sem_alloc : memref<!tpu.dma_semaphore, #tpu.memory_space<semaphore_mem>>
      %dma_start3A = arith.constant 0 : i32
      %dma_start3A_39 = tpu.memref_slice %arg12[%arg1, %dma_start3A] : memref<16x10240xf32, #tpu.memory_space<vmem_shared>> -> memref<1x10240xf32, #tpu.memory_space<vmem_shared>>
      %dma_start3A_40 = tpu.memref_squeeze %dma_start3A_39 : memref<1x10240xf32, #tpu.memory_space<vmem_shared>> -> memref<10240xf32, #tpu.memory_space<vmem_shared>>
      %dma_start3A_41 = arith.constant 0 : i32
      %dma_start3A_42 = tpu.memref_slice %arg12[%arg1, %dma_start3A_41] : memref<16x10240xf32, #tpu.memory_space<vmem_shared>> -> memref<1x10240xf32, #tpu.memory_space<vmem_shared>>
      %dma_start3A_43 = tpu.memref_squeeze %dma_start3A_42 : memref<1x10240xf32, #tpu.memory_space<vmem_shared>> -> memref<10240xf32, #tpu.memory_space<vmem_shared>>
      tpu.enqueue_dma source(%arg8 : memref<10240xf32, #tpu.memory_space<vmem>>) target(%dma_start3A_43 : memref<10240xf32, #tpu.memory_space<vmem_shared>>) target_semaphore(%run_scoped3A : memref<!tpu.dma_semaphore, #tpu.memory_space<semaphore_mem>>)
      %dma_wait3A = arith.constant 0 : i32
      %dma_wait3A_44 = tpu.memref_slice %arg12[%arg1, %dma_wait3A] : memref<16x10240xf32, #tpu.memory_space<vmem_shared>> -> memref<1x10240xf32, #tpu.memory_space<vmem_shared>>
      %dma_wait3A_45 = tpu.memref_squeeze %dma_wait3A_44 : memref<1x10240xf32, #tpu.memory_space<vmem_shared>> -> memref<10240xf32, #tpu.memory_space<vmem_shared>>
      %dma_wait3A_46 = arith.constant 0 : i32
      %dma_wait3A_47 = tpu.memref_slice %arg12[%arg1, %dma_wait3A_46] : memref<16x10240xf32, #tpu.memory_space<vmem_shared>> -> memref<1x10240xf32, #tpu.memory_space<vmem_shared>>
      %dma_wait3A_48 = tpu.memref_squeeze %dma_wait3A_47 : memref<1x10240xf32, #tpu.memory_space<vmem_shared>> -> memref<10240xf32, #tpu.memory_space<vmem_shared>>
      tpu.wait_dma2 semaphore(%run_scoped3A : memref<!tpu.dma_semaphore, #tpu.memory_space<semaphore_mem>>) src(%arg8 : memref<10240xf32, #tpu.memory_space<vmem>>) dst(%dma_wait3A_48 : memref<10240xf32, #tpu.memory_space<vmem_shared>>)
      tpu.yield
    }) : () -> ()
    "tpu.region"() ({
      %run_scoped3A = tpu.sem_alloc : memref<!tpu.dma_semaphore, #tpu.memory_space<semaphore_mem>>
      %dma_start3A = arith.constant 0 : i32
      %dma_start3A_39 = tpu.memref_slice %arg3[%add3A, %dma_start3A] : memref<32x10240xf32, #tpu.memory_space<hbm>> -> memref<1x10240xf32, #tpu.memory_space<hbm>>
      %dma_start3A_40 = tpu.memref_squeeze %dma_start3A_39 : memref<1x10240xf32, #tpu.memory_space<hbm>> -> memref<10240xf32, #tpu.memory_space<hbm>>
      %dma_start3A_41 = arith.constant 0 : i32
      %dma_start3A_42 = tpu.memref_slice %arg3[%add3A, %dma_start3A_41] : memref<32x10240xf32, #tpu.memory_space<hbm>> -> memref<1x10240xf32, #tpu.memory_space<hbm>>
      %dma_start3A_43 = tpu.memref_squeeze %dma_start3A_42 : memref<1x10240xf32, #tpu.memory_space<hbm>> -> memref<10240xf32, #tpu.memory_space<hbm>>
      tpu.enqueue_dma source(%arg7 : memref<10240xf32, #tpu.memory_space<vmem>>) target(%dma_start3A_43 : memref<10240xf32, #tpu.memory_space<hbm>>) target_semaphore(%run_scoped3A : memref<!tpu.dma_semaphore, #tpu.memory_space<semaphore_mem>>)
      %dma_wait3A = arith.constant 0 : i32
      %dma_wait3A_44 = tpu.memref_slice %arg3[%add3A, %dma_wait3A] : memref<32x10240xf32, #tpu.memory_space<hbm>> -> memref<1x10240xf32, #tpu.memory_space<hbm>>
      %dma_wait3A_45 = tpu.memref_squeeze %dma_wait3A_44 : memref<1x10240xf32, #tpu.memory_space<hbm>> -> memref<10240xf32, #tpu.memory_space<hbm>>
      %dma_wait3A_46 = arith.constant 0 : i32
      %dma_wait3A_47 = tpu.memref_slice %arg3[%add3A, %dma_wait3A_46] : memref<32x10240xf32, #tpu.memory_space<hbm>> -> memref<1x10240xf32, #tpu.memory_space<hbm>>
      %dma_wait3A_48 = tpu.memref_squeeze %dma_wait3A_47 : memref<1x10240xf32, #tpu.memory_space<hbm>> -> memref<10240xf32, #tpu.memory_space<hbm>>
      tpu.wait_dma2 semaphore(%run_scoped3A : memref<!tpu.dma_semaphore, #tpu.memory_space<semaphore_mem>>) src(%arg7 : memref<10240xf32, #tpu.memory_space<vmem>>) dst(%dma_wait3A_48 : memref<10240xf32, #tpu.memory_space<hbm>>)
      tpu.yield
    }) : () -> ()
    %barrier3A = arith.constant 0 : index
    tpu.barrier barrier_id(%barrier3A)
    %mul3A_21 = arith.constant 640 : i32
    %mul3A_22 = arith.muli %arg1, %mul3A_21 : i32
    "tpu.region"() ({
      %run_scoped3A = tpu.sem_alloc : memref<!tpu.dma_semaphore, #tpu.memory_space<semaphore_mem>>
      %dma_start3A = arith.constant 0 : i32
      %dma_start3A_39 = tpu.memref_slice %arg12[%dma_start3A, %mul3A_22] : memref<16x10240xf32, #tpu.memory_space<vmem_shared>> -> memref<16x640xf32, #tpu.memory_space<vmem_shared>>
      %dma_start3A_40 = arith.constant 0 : i32
      %dma_start3A_41 = tpu.memref_slice %arg12[%dma_start3A_40, %mul3A_22] : memref<16x10240xf32, #tpu.memory_space<vmem_shared>> -> memref<16x640xf32, #tpu.memory_space<vmem_shared>>
      tpu.enqueue_dma source(%dma_start3A_41 : memref<16x640xf32, #tpu.memory_space<vmem_shared>>) target(%arg10 : memref<16x640xf32, #tpu.memory_space<vmem>>) target_semaphore(%run_scoped3A : memref<!tpu.dma_semaphore, #tpu.memory_space<semaphore_mem>>)
      %dma_wait3A = arith.constant 0 : i32
      %dma_wait3A_42 = tpu.memref_slice %arg12[%dma_wait3A, %mul3A_22] : memref<16x10240xf32, #tpu.memory_space<vmem_shared>> -> memref<16x640xf32, #tpu.memory_space<vmem_shared>>
      %dma_wait3A_43 = arith.constant 0 : i32
      %dma_wait3A_44 = tpu.memref_slice %arg12[%dma_wait3A_43, %mul3A_22] : memref<16x10240xf32, #tpu.memory_space<vmem_shared>> -> memref<16x640xf32, #tpu.memory_space<vmem_shared>>
      tpu.wait_dma2 semaphore(%run_scoped3A : memref<!tpu.dma_semaphore, #tpu.memory_space<semaphore_mem>>) src(%dma_wait3A_44 : memref<16x640xf32, #tpu.memory_space<vmem_shared>>) dst(%arg10 : memref<16x640xf32, #tpu.memory_space<vmem>>)
      tpu.yield
    }) : () -> ()
    %parallel_loop3A = arith.constant 0 : i32
    %parallel_loop3A_23 = arith.constant 40 : i32
    %parallel_loop3A_24 = arith.constant 1 : i32
    scf.for %parallel_loop3A_39 = %parallel_loop3A to %parallel_loop3A_23 step %parallel_loop3A_24  : i32 {
      %parallel_loop3A_40 = arith.constant 16 : i32
      %parallel_loop3A_41 = arith.muli %parallel_loop3A_39, %parallel_loop3A_40 : i32
      %parallel_loop3A_42 = arith.constant 0 : i32
      %parallel_loop3A_43 = arith.index_cast %parallel_loop3A_42 : i32 to index
      %parallel_loop3A_44 = arith.index_cast %parallel_loop3A_41 : i32 to index
      %parallel_loop3A_45 = tpu.vector_load %arg10[%parallel_loop3A_43, %parallel_loop3A_44] {strides = array<i32>} : memref<16x640xf32, #tpu.memory_space<vmem>>, vector<16xf32>,
      %parallel_loop3A_46 = arith.constant 16 : i32
      %parallel_loop3A_47 = arith.muli %parallel_loop3A_39, %parallel_loop3A_46 : i32
      %parallel_loop3A_48 = arith.constant 1 : i32
      %parallel_loop3A_49 = arith.index_cast %parallel_loop3A_48 : i32 to index
      %parallel_loop3A_50 = arith.index_cast %parallel_loop3A_47 : i32 to index
      %parallel_loop3A_51 = tpu.vector_load %arg10[%parallel_loop3A_49, %parallel_loop3A_50] {strides = array<i32>} : memref<16x640xf32, #tpu.memory_space<vmem>>, vector<16xf32>,
      %parallel_loop3A_52 = arith.addf %parallel_loop3A_45, %parallel_loop3A_51 : vector<16xf32>
      %parallel_loop3A_53 = arith.constant 16 : i32
      %parallel_loop3A_54 = arith.muli %parallel_loop3A_39, %parallel_loop3A_53 : i32
      %parallel_loop3A_55 = arith.constant 2 : i32
      %parallel_loop3A_56 = arith.index_cast %parallel_loop3A_55 : i32 to index
      %parallel_loop3A_57 = arith.index_cast %parallel_loop3A_54 : i32 to index
      %parallel_loop3A_58 = tpu.vector_load %arg10[%parallel_loop3A_56, %parallel_loop3A_57] {strides = array<i32>} : memref<16x640xf32, #tpu.memory_space<vmem>>, vector<16xf32>,
      %parallel_loop3A_59 = arith.addf %parallel_loop3A_52, %parallel_loop3A_58 : vector<16xf32>
      %parallel_loop3A_60 = arith.constant 16 : i32
      %parallel_loop3A_61 = arith.muli %parallel_loop3A_39, %parallel_loop3A_60 : i32
      %parallel_loop3A_62 = arith.constant 3 : i32
      %parallel_loop3A_63 = arith.index_cast %parallel_loop3A_62 : i32 to index
      %parallel_loop3A_64 = arith.index_cast %parallel_loop3A_61 : i32 to index
      %parallel_loop3A_65 = tpu.vector_load %arg10[%parallel_loop3A_63, %parallel_loop3A_64] {strides = array<i32>} : memref<16x640xf32, #tpu.memory_space<vmem>>, vector<16xf32>,
      %parallel_loop3A_66 = arith.addf %parallel_loop3A_59, %parallel_loop3A_65 : vector<16xf32>
      %parallel_loop3A_67 = arith.constant 16 : i32
      %parallel_loop3A_68 = arith.muli %parallel_loop3A_39, %parallel_loop3A_67 : i32
      %parallel_loop3A_69 = arith.constant 4 : i32
      %parallel_loop3A_70 = arith.index_cast %parallel_loop3A_69 : i32 to index
      %parallel_loop3A_71 = arith.index_cast %parallel_loop3A_68 : i32 to index
      %parallel_loop3A_72 = tpu.vector_load %arg10[%parallel_loop3A_70, %parallel_loop3A_71] {strides = array<i32>} : memref<16x640xf32, #tpu.memory_space<vmem>>, vector<16xf32>,
      %parallel_loop3A_73 = arith.addf %parallel_loop3A_66, %parallel_loop3A_72 : vector<16xf32>
      %parallel_loop3A_74 = arith.constant 16 : i32
      %parallel_loop3A_75 = arith.muli %parallel_loop3A_39, %parallel_loop3A_74 : i32
      %parallel_loop3A_76 = arith.constant 5 : i32
      %parallel_loop3A_77 = arith.index_cast %parallel_loop3A_76 : i32 to index
      %parallel_loop3A_78 = arith.index_cast %parallel_loop3A_75 : i32 to index
      %parallel_loop3A_79 = tpu.vector_load %arg10[%parallel_loop3A_77, %parallel_loop3A_78] {strides = array<i32>} : memref<16x640xf32, #tpu.memory_space<vmem>>, vector<16xf32>,
      %parallel_loop3A_80 = arith.addf %parallel_loop3A_73, %parallel_loop3A_79 : vector<16xf32>
      %parallel_loop3A_81 = arith.constant 16 : i32
      %parallel_loop3A_82 = arith.muli %parallel_loop3A_39, %parallel_loop3A_81 : i32
      %parallel_loop3A_83 = arith.constant 6 : i32
      %parallel_loop3A_84 = arith.index_cast %parallel_loop3A_83 : i32 to index
      %parallel_loop3A_85 = arith.index_cast %parallel_loop3A_82 : i32 to index
      %parallel_loop3A_86 = tpu.vector_load %arg10[%parallel_loop3A_84, %parallel_loop3A_85] {strides = array<i32>} : memref<16x640xf32, #tpu.memory_space<vmem>>, vector<16xf32>,
      %parallel_loop3A_87 = arith.addf %parallel_loop3A_80, %parallel_loop3A_86 : vector<16xf32>
      %parallel_loop3A_88 = arith.constant 16 : i32
      %parallel_loop3A_89 = arith.muli %parallel_loop3A_39, %parallel_loop3A_88 : i32
      %parallel_loop3A_90 = arith.constant 7 : i32
      %parallel_loop3A_91 = arith.index_cast %parallel_loop3A_90 : i32 to index
      %parallel_loop3A_92 = arith.index_cast %parallel_loop3A_89 : i32 to index
      %parallel_loop3A_93 = tpu.vector_load %arg10[%parallel_loop3A_91, %parallel_loop3A_92] {strides = array<i32>} : memref<16x640xf32, #tpu.memory_space<vmem>>, vector<16xf32>,
      %parallel_loop3A_94 = arith.addf %parallel_loop3A_87, %parallel_loop3A_93 : vector<16xf32>
      %parallel_loop3A_95 = arith.constant 16 : i32
      %parallel_loop3A_96 = arith.muli %parallel_loop3A_39, %parallel_loop3A_95 : i32
      %parallel_loop3A_97 = arith.constant 8 : i32
      %parallel_loop3A_98 = arith.index_cast %parallel_loop3A_97 : i32 to index
      %parallel_loop3A_99 = arith.index_cast %parallel_loop3A_96 : i32 to index
      %parallel_loop3A_100 = tpu.vector_load %arg10[%parallel_loop3A_98, %parallel_loop3A_99] {strides = array<i32>} : memref<16x640xf32, #tpu.memory_space<vmem>>, vector<16xf32>,
      %parallel_loop3A_101 = arith.addf %parallel_loop3A_94, %parallel_loop3A_100 : vector<16xf32>
      %parallel_loop3A_102 = arith.constant 16 : i32
      %parallel_loop3A_103 = arith.muli %parallel_loop3A_39, %parallel_loop3A_102 : i32
      %parallel_loop3A_104 = arith.constant 9 : i32
      %parallel_loop3A_105 = arith.index_cast %parallel_loop3A_104 : i32 to index
      %parallel_loop3A_106 = arith.index_cast %parallel_loop3A_103 : i32 to index
      %parallel_loop3A_107 = tpu.vector_load %arg10[%parallel_loop3A_105, %parallel_loop3A_106] {strides = array<i32>} : memref<16x640xf32, #tpu.memory_space<vmem>>, vector<16xf32>,
      %parallel_loop3A_108 = arith.addf %parallel_loop3A_101, %parallel_loop3A_107 : vector<16xf32>
      %parallel_loop3A_109 = arith.constant 16 : i32
      %parallel_loop3A_110 = arith.muli %parallel_loop3A_39, %parallel_loop3A_109 : i32
      %parallel_loop3A_111 = arith.constant 10 : i32
      %parallel_loop3A_112 = arith.index_cast %parallel_loop3A_111 : i32 to index
      %parallel_loop3A_113 = arith.index_cast %parallel_loop3A_110 : i32 to index
      %parallel_loop3A_114 = tpu.vector_load %arg10[%parallel_loop3A_112, %parallel_loop3A_113] {strides = array<i32>} : memref<16x640xf32, #tpu.memory_space<vmem>>, vector<16xf32>,
      %parallel_loop3A_115 = arith.addf %parallel_loop3A_108, %parallel_loop3A_114 : vector<16xf32>
      %parallel_loop3A_116 = arith.constant 16 : i32
      %parallel_loop3A_117 = arith.muli %parallel_loop3A_39, %parallel_loop3A_116 : i32
      %parallel_loop3A_118 = arith.constant 11 : i32
      %parallel_loop3A_119 = arith.index_cast %parallel_loop3A_118 : i32 to index
      %parallel_loop3A_120 = arith.index_cast %parallel_loop3A_117 : i32 to index
      %parallel_loop3A_121 = tpu.vector_load %arg10[%parallel_loop3A_119, %parallel_loop3A_120] {strides = array<i32>} : memref<16x640xf32, #tpu.memory_space<vmem>>, vector<16xf32>,
      %parallel_loop3A_122 = arith.addf %parallel_loop3A_115, %parallel_loop3A_121 : vector<16xf32>
      %parallel_loop3A_123 = arith.constant 16 : i32
      %parallel_loop3A_124 = arith.muli %parallel_loop3A_39, %parallel_loop3A_123 : i32
      %parallel_loop3A_125 = arith.constant 12 : i32
      %parallel_loop3A_126 = arith.index_cast %parallel_loop3A_125 : i32 to index
      %parallel_loop3A_127 = arith.index_cast %parallel_loop3A_124 : i32 to index
      %parallel_loop3A_128 = tpu.vector_load %arg10[%parallel_loop3A_126, %parallel_loop3A_127] {strides = array<i32>} : memref<16x640xf32, #tpu.memory_space<vmem>>, vector<16xf32>,
      %parallel_loop3A_129 = arith.addf %parallel_loop3A_122, %parallel_loop3A_128 : vector<16xf32>
      %parallel_loop3A_130 = arith.constant 16 : i32
      %parallel_loop3A_131 = arith.muli %parallel_loop3A_39, %parallel_loop3A_130 : i32
      %parallel_loop3A_132 = arith.constant 13 : i32
      %parallel_loop3A_133 = arith.index_cast %parallel_loop3A_132 : i32 to index
      %parallel_loop3A_134 = arith.index_cast %parallel_loop3A_131 : i32 to index
      %parallel_loop3A_135 = tpu.vector_load %arg10[%parallel_loop3A_133, %parallel_loop3A_134] {strides = array<i32>} : memref<16x640xf32, #tpu.memory_space<vmem>>, vector<16xf32>,
      %parallel_loop3A_136 = arith.addf %parallel_loop3A_129, %parallel_loop3A_135 : vector<16xf32>
      %parallel_loop3A_137 = arith.constant 16 : i32
      %parallel_loop3A_138 = arith.muli %parallel_loop3A_39, %parallel_loop3A_137 : i32
      %parallel_loop3A_139 = arith.constant 14 : i32
      %parallel_loop3A_140 = arith.index_cast %parallel_loop3A_139 : i32 to index
      %parallel_loop3A_141 = arith.index_cast %parallel_loop3A_138 : i32 to index
      %parallel_loop3A_142 = tpu.vector_load %arg10[%parallel_loop3A_140, %parallel_loop3A_141] {strides = array<i32>} : memref<16x640xf32, #tpu.memory_space<vmem>>, vector<16xf32>,
      %parallel_loop3A_143 = arith.addf %parallel_loop3A_136, %parallel_loop3A_142 : vector<16xf32>
      %parallel_loop3A_144 = arith.constant 16 : i32
      %parallel_loop3A_145 = arith.muli %parallel_loop3A_39, %parallel_loop3A_144 : i32
      %parallel_loop3A_146 = arith.constant 15 : i32
      %parallel_loop3A_147 = arith.index_cast %parallel_loop3A_146 : i32 to index
      %parallel_loop3A_148 = arith.index_cast %parallel_loop3A_145 : i32 to index
      %parallel_loop3A_149 = tpu.vector_load %arg10[%parallel_loop3A_147, %parallel_loop3A_148] {strides = array<i32>} : memref<16x640xf32, #tpu.memory_space<vmem>>, vector<16xf32>,
      %parallel_loop3A_150 = arith.addf %parallel_loop3A_143, %parallel_loop3A_149 : vector<16xf32>
      %parallel_loop3A_151 = arith.constant 1.000000e+00 : f32
      %parallel_loop3A_152 = vector.broadcast %parallel_loop3A_151 : f32 to vector<16xf32>
      %parallel_loop3A_153 = arith.maximumf %parallel_loop3A_150, %parallel_loop3A_152 : vector<16xf32>
      %parallel_loop3A_154 = tpu.bitcast %parallel_loop3A_153 : vector<16xf32> -> vector<16xi32>
      %parallel_loop3A_155 = arith.constant 1 : i32
      %parallel_loop3A_156 = vector.broadcast %parallel_loop3A_155 : i32 to vector<16xi32>
      %parallel_loop3A_157 = arith.shrui %parallel_loop3A_154, %parallel_loop3A_156 : vector<16xi32>
      %parallel_loop3A_158 = arith.constant 1597463007 : i32
      %parallel_loop3A_159 = vector.broadcast %parallel_loop3A_158 : i32 to vector<16xi32>
      %parallel_loop3A_160 = arith.subi %parallel_loop3A_159, %parallel_loop3A_157 : vector<16xi32>
      %parallel_loop3A_161 = tpu.bitcast %parallel_loop3A_160 : vector<16xi32> -> vector<16xf32>
      %parallel_loop3A_162 = arith.constant 5.000000e-01 : f32
      %parallel_loop3A_163 = vector.broadcast %parallel_loop3A_162 : f32 to vector<16xf32>
      %parallel_loop3A_164 = arith.mulf %parallel_loop3A_153, %parallel_loop3A_163 : vector<16xf32>
      %parallel_loop3A_165 = arith.mulf %parallel_loop3A_164, %parallel_loop3A_161 : vector<16xf32>
      %parallel_loop3A_166 = arith.mulf %parallel_loop3A_165, %parallel_loop3A_161 : vector<16xf32>
      %parallel_loop3A_167 = arith.constant 1.500000e+00 : f32
      %parallel_loop3A_168 = vector.broadcast %parallel_loop3A_167 : f32 to vector<16xf32>
      %parallel_loop3A_169 = arith.subf %parallel_loop3A_168, %parallel_loop3A_166 : vector<16xf32>
      %parallel_loop3A_170 = arith.mulf %parallel_loop3A_161, %parallel_loop3A_169 : vector<16xf32>
      %parallel_loop3A_171 = arith.mulf %parallel_loop3A_164, %parallel_loop3A_170 : vector<16xf32>
      %parallel_loop3A_172 = arith.mulf %parallel_loop3A_171, %parallel_loop3A_170 : vector<16xf32>
      %parallel_loop3A_173 = arith.constant 1.500000e+00 : f32
      %parallel_loop3A_174 = vector.broadcast %parallel_loop3A_173 : f32 to vector<16xf32>
      %parallel_loop3A_175 = arith.subf %parallel_loop3A_174, %parallel_loop3A_172 : vector<16xf32>
      %parallel_loop3A_176 = arith.mulf %parallel_loop3A_170, %parallel_loop3A_175 : vector<16xf32>
      %parallel_loop3A_177 = arith.mulf %parallel_loop3A_164, %parallel_loop3A_176 : vector<16xf32>
      %parallel_loop3A_178 = arith.mulf %parallel_loop3A_177, %parallel_loop3A_176 : vector<16xf32>
      %parallel_loop3A_179 = arith.constant 1.500000e+00 : f32
      %parallel_loop3A_180 = vector.broadcast %parallel_loop3A_179 : f32 to vector<16xf32>
      %parallel_loop3A_181 = arith.subf %parallel_loop3A_180, %parallel_loop3A_178 : vector<16xf32>
      %parallel_loop3A_182 = arith.mulf %parallel_loop3A_176, %parallel_loop3A_181 : vector<16xf32>
      %parallel_loop3A_183 = arith.constant 16 : i32
      %parallel_loop3A_184 = arith.muli %parallel_loop3A_39, %parallel_loop3A_183 : i32
      %parallel_loop3A_185 = arith.index_cast %parallel_loop3A_184 : i32 to index
      %parallel_loop3A_186 = tpu.vector_load %arg11[%parallel_loop3A_185] {strides = array<i32>} : memref<640xf32, #tpu.memory_space<vmem>>, vector<16xf32>,
      tpu.vector_store %arg11[%parallel_loop3A_185], %parallel_loop3A_182 {strides = array<i32>} : memref<640xf32, #tpu.memory_space<vmem>>, vector<16xf32>,
    } {sc.loop_unroll_factor = 2 : i64, sc.parallel_access}
    "tpu.region"() ({
      %run_scoped3A = tpu.sem_alloc : memref<!tpu.dma_semaphore, #tpu.memory_space<semaphore_mem>>
      %dma_start3A = tpu.memref_slice %arg13[%mul3A_22] : memref<10240xf32, #tpu.memory_space<vmem_shared>> -> memref<640xf32, #tpu.memory_space<vmem_shared>>
      %dma_start3A_39 = tpu.memref_slice %arg13[%mul3A_22] : memref<10240xf32, #tpu.memory_space<vmem_shared>> -> memref<640xf32, #tpu.memory_space<vmem_shared>>
      tpu.enqueue_dma source(%arg11 : memref<640xf32, #tpu.memory_space<vmem>>) target(%dma_start3A_39 : memref<640xf32, #tpu.memory_space<vmem_shared>>) target_semaphore(%run_scoped3A : memref<!tpu.dma_semaphore, #tpu.memory_space<semaphore_mem>>)
      %dma_wait3A = tpu.memref_slice %arg13[%mul3A_22] : memref<10240xf32, #tpu.memory_space<vmem_shared>> -> memref<640xf32, #tpu.memory_space<vmem_shared>>
      %dma_wait3A_40 = tpu.memref_slice %arg13[%mul3A_22] : memref<10240xf32, #tpu.memory_space<vmem_shared>> -> memref<640xf32, #tpu.memory_space<vmem_shared>>
      tpu.wait_dma2 semaphore(%run_scoped3A : memref<!tpu.dma_semaphore, #tpu.memory_space<semaphore_mem>>) src(%arg11 : memref<640xf32, #tpu.memory_space<vmem>>) dst(%dma_wait3A_40 : memref<640xf32, #tpu.memory_space<vmem_shared>>)
      tpu.yield
    }) : () -> ()
    %parallel_loop3A_25 = arith.constant 0 : i32
    %parallel_loop3A_26 = arith.constant 640 : i32
    %parallel_loop3A_27 = arith.constant 1 : i32
    scf.for %parallel_loop3A_39 = %parallel_loop3A_25 to %parallel_loop3A_26 step %parallel_loop3A_27  : i32 {
      %parallel_loop3A_40 = arith.constant 16 : i32
      %parallel_loop3A_41 = arith.muli %parallel_loop3A_39, %parallel_loop3A_40 : i32
      %parallel_loop3A_42 = arith.index_cast %parallel_loop3A_41 : i32 to index
      %parallel_loop3A_43 = tpu.vector_load %arg7[%parallel_loop3A_42] {strides = array<i32>} : memref<10240xf32, #tpu.memory_space<vmem>>, vector<16xf32>,
      tpu.vector_store %arg7[%parallel_loop3A_42], %broadcast_in_dim3A_9 {strides = array<i32>} : memref<10240xf32, #tpu.memory_space<vmem>>, vector<16xf32>,
    } {sc.loop_unroll_factor = 8 : i64, sc.parallel_access}
    %barrier3A_28 = arith.constant 0 : index
    tpu.barrier barrier_id(%barrier3A_28)
    "tpu.region"() ({
      %run_scoped3A = tpu.sem_alloc : memref<!tpu.dma_semaphore, #tpu.memory_space<semaphore_mem>>
      tpu.enqueue_dma source(%arg13 : memref<10240xf32, #tpu.memory_space<vmem_shared>>) target(%arg9 : memref<10240xf32, #tpu.memory_space<vmem>>) target_semaphore(%run_scoped3A : memref<!tpu.dma_semaphore, #tpu.memory_space<semaphore_mem>>)
      tpu.wait_dma2 semaphore(%run_scoped3A : memref<!tpu.dma_semaphore, #tpu.memory_space<semaphore_mem>>) src(%arg13 : memref<10240xf32, #tpu.memory_space<vmem_shared>>) dst(%arg9 : memref<10240xf32, #tpu.memory_space<vmem>>)
      tpu.yield
    }) : () -> ()
    %eq3A_29 = arith.constant 0 : i32
    %eq3A_30 = arith.cmpi eq, %arg0, %eq3A_29 : i32
    %convert_element_type3A_31 = arith.extui %eq3A_30 : i1 to i32
    %cond3A_32 = arith.constant 0 : i32
    %cond3A_33 = arith.cmpi ne, %convert_element_type3A_31, %cond3A_32 : i32
    scf.if %cond3A_33 {
      %parallel_loop3A_39 = arith.constant 0 : i32
      %parallel_loop3A_40 = arith.constant 808 : i32
      %parallel_loop3A_41 = arith.constant 1 : i32
      scf.for %parallel_loop3A_42 = %parallel_loop3A_39 to %parallel_loop3A_40 step %parallel_loop3A_41  : i32 {
        %parallel_loop3A_43 = arith.constant 16 : i32
        %parallel_loop3A_44 = arith.muli %parallel_loop3A_42, %parallel_loop3A_43 : i32
        %parallel_loop3A_45 = arith.constant 1 : i32
        %parallel_loop3A_46 = arith.index_cast %parallel_loop3A_45 : i32 to index
        %parallel_loop3A_47 = arith.index_cast %parallel_loop3A_44 : i32 to index
        %parallel_loop3A_48 = tpu.vector_load %arg5[%parallel_loop3A_46, %parallel_loop3A_47] {strides = array<i32>} : memref<2x12928xi32, #tpu.memory_space<vmem>>, vector<16xi32>,
        %parallel_loop3A_49 = tpu.vector_load_idx %arg9[%parallel_loop3A_48] : memref<10240xf32, #tpu.memory_space<vmem>>[vector<16xi32>], vector<16xf32>,
        %parallel_loop3A_50 = arith.constant 16 : i32
        %parallel_loop3A_51 = arith.muli %parallel_loop3A_42, %parallel_loop3A_50 : i32
        %parallel_loop3A_52 = arith.constant 0 : i32
        %parallel_loop3A_53 = arith.index_cast %parallel_loop3A_52 : i32 to index
        %parallel_loop3A_54 = arith.index_cast %parallel_loop3A_51 : i32 to index
        %parallel_loop3A_55 = tpu.vector_load %arg5[%parallel_loop3A_53, %parallel_loop3A_54] {strides = array<i32>} : memref<2x12928xi32, #tpu.memory_space<vmem>>, vector<16xi32>,
        tpu.vector_store_idx %arg7[%parallel_loop3A_55], %parallel_loop3A_49 {add = true} : memref<10240xf32, #tpu.memory_space<vmem>>[vector<16xi32>], vector<16xf32>,
      } {sc.loop_unroll_factor = 8 : i64, sc.parallel_access}
    } else {
    }
    %eq3A_34 = arith.constant 1 : i32
    %eq3A_35 = arith.cmpi eq, %arg0, %eq3A_34 : i32
    %convert_element_type3A_36 = arith.extui %eq3A_35 : i1 to i32
    %cond3A_37 = arith.constant 0 : i32
    %cond3A_38 = arith.cmpi ne, %convert_element_type3A_36, %cond3A_37 : i32
    scf.if %cond3A_38 {
      %parallel_loop3A_39 = arith.constant 0 : i32
      %parallel_loop3A_40 = arith.constant 448 : i32
      %parallel_loop3A_41 = arith.constant 1 : i32
      scf.for %parallel_loop3A_42 = %parallel_loop3A_39 to %parallel_loop3A_40 step %parallel_loop3A_41  : i32 {
        %parallel_loop3A_43 = arith.constant 16 : i32
        %parallel_loop3A_44 = arith.muli %parallel_loop3A_42, %parallel_loop3A_43 : i32
        %parallel_loop3A_45 = arith.constant 1 : i32
        %parallel_loop3A_46 = arith.index_cast %parallel_loop3A_45 : i32 to index
        %parallel_loop3A_47 = arith.index_cast %parallel_loop3A_44 : i32 to index
        %parallel_loop3A_48 = tpu.vector_load %arg5[%parallel_loop3A_46, %parallel_loop3A_47] {strides = array<i32>} : memref<2x12928xi32, #tpu.memory_space<vmem>>, vector<16xi32>,
        %parallel_loop3A_49 = tpu.vector_load_idx %arg9[%parallel_loop3A_48] : memref<10240xf32, #tpu.memory_space<vmem>>[vector<16xi32>], vector<16xf32>,
        %parallel_loop3A_50 = arith.constant 16 : i32
        %parallel_loop3A_51 = arith.muli %parallel_loop3A_42, %parallel_loop3A_50 : i32
        %parallel_loop3A_52 = arith.constant 0 : i32
        %parallel_loop3A_53 = arith.index_cast %parallel_loop3A_52 : i32 to index
        %parallel_loop3A_54 = arith.index_cast %parallel_loop3A_51 : i32 to index
        %parallel_loop3A_55 = tpu.vector_load %arg5[%parallel_loop3A_53, %parallel_loop3A_54] {strides = array<i32>} : memref<2x12928xi32, #tpu.memory_space<vmem>>, vector<16xi32>,
        tpu.vector_store_idx %arg7[%parallel_loop3A_55], %parallel_loop3A_49 {add = true} : memref<10240xf32, #tpu.memory_space<vmem>>[vector<16xi32>], vector<16xf32>,
      } {sc.loop_unroll_factor = 8 : i64, sc.parallel_access}
    } else {
    }
    "tpu.region"() ({
      %run_scoped3A = tpu.sem_alloc : memref<!tpu.dma_semaphore, #tpu.memory_space<semaphore_mem>>
      %dma_start3A = arith.constant 0 : i32
      %dma_start3A_39 = tpu.memref_slice %arg4[%add3A, %dma_start3A] : memref<32x10240xf32, #tpu.memory_space<hbm>> -> memref<1x10240xf32, #tpu.memory_space<hbm>>
      %dma_start3A_40 = tpu.memref_squeeze %dma_start3A_39 : memref<1x10240xf32, #tpu.memory_space<hbm>> -> memref<10240xf32, #tpu.memory_space<hbm>>
      %dma_start3A_41 = arith.constant 0 : i32
      %dma_start3A_42 = tpu.memref_slice %arg4[%add3A, %dma_start3A_41] : memref<32x10240xf32, #tpu.memory_space<hbm>> -> memref<1x10240xf32, #tpu.memory_space<hbm>>
      %dma_start3A_43 = tpu.memref_squeeze %dma_start3A_42 : memref<1x10240xf32, #tpu.memory_space<hbm>> -> memref<10240xf32, #tpu.memory_space<hbm>>
      tpu.enqueue_dma source(%arg7 : memref<10240xf32, #tpu.memory_space<vmem>>) target(%dma_start3A_43 : memref<10240xf32, #tpu.memory_space<hbm>>) target_semaphore(%run_scoped3A : memref<!tpu.dma_semaphore, #tpu.memory_space<semaphore_mem>>)
      %dma_wait3A = arith.constant 0 : i32
      %dma_wait3A_44 = tpu.memref_slice %arg4[%add3A, %dma_wait3A] : memref<32x10240xf32, #tpu.memory_space<hbm>> -> memref<1x10240xf32, #tpu.memory_space<hbm>>
      %dma_wait3A_45 = tpu.memref_squeeze %dma_wait3A_44 : memref<1x10240xf32, #tpu.memory_space<hbm>> -> memref<10240xf32, #tpu.memory_space<hbm>>
      %dma_wait3A_46 = arith.constant 0 : i32
      %dma_wait3A_47 = tpu.memref_slice %arg4[%add3A, %dma_wait3A_46] : memref<32x10240xf32, #tpu.memory_space<hbm>> -> memref<1x10240xf32, #tpu.memory_space<hbm>>
      %dma_wait3A_48 = tpu.memref_squeeze %dma_wait3A_47 : memref<1x10240xf32, #tpu.memory_space<hbm>> -> memref<10240xf32, #tpu.memory_space<hbm>>
      tpu.wait_dma2 semaphore(%run_scoped3A : memref<!tpu.dma_semaphore, #tpu.memory_space<semaphore_mem>>) src(%arg7 : memref<10240xf32, #tpu.memory_space<vmem>>) dst(%dma_wait3A_48 : memref<10240xf32, #tpu.memory_space<hbm>>)
      tpu.yield
    }) : () -> ()
    return
  }
}

module attributes {stable_mosaic.version = 14 : i64} {
  func.func @_final_body(%arg0: memref<32x10240xf32, #tpu.memory_space<vmem>>, %arg1: memref<32x10240xf32, #tpu.memory_space<vmem>>, %arg2: memref<10000x128xf32, #tpu.memory_space<vmem>>, %arg3: memref<128x256xf32, #tpu.memory_space<vmem>>, %arg4: memref<256xf32, #tpu.memory_space<vmem>>, %arg5: memref<256x128xf32, #tpu.memory_space<vmem>>, %arg6: memref<128xf32, #tpu.memory_space<vmem>>, %arg7: memref<128x1xf32, #tpu.memory_space<vmem>>, %arg8: memref<1xf32, #tpu.memory_space<vmem>>, %arg9: memref<1x1xf32, #tpu.memory_space<vmem>>) attributes {dimension_semantics = [], scalar_prefetch = 0 : i64, scratch_operands = 0 : i64, tpu.core_type = #tpu.core_type<tc>} {
    %get3A = arith.constant 0 : index
    %get3A_0 = arith.constant 0 : index
    %get3A_1 = vector.load %arg0[%get3A, %get3A_0] : memref<32x10240xf32, #tpu.memory_space<vmem>>, vector<32x10240xf32>
    %reduce_sum3A = arith.constant dense<0.000000e+00> : vector<10240xf32>
    %reduce_sum3A_2 = vector.multi_reduction <add>, %get3A_1, %reduce_sum3A [0] : vector<32x10240xf32> to vector<10240xf32>
    %broadcast_in_dim3A = vector.shape_cast %reduce_sum3A_2 : vector<10240xf32> to vector<1x10240xf32>
    %max3A = arith.constant 1.000000e+00 : f32
    %max3A_3 = vector.broadcast %max3A : f32 to vector<1x10240xf32>
    %max3A_4 = arith.maximumf %broadcast_in_dim3A, %max3A_3 : vector<1x10240xf32>
    %rsqrt3A = math.rsqrt %max3A_4 : vector<1x10240xf32>
    %get3A_5 = arith.constant 0 : index
    %get3A_6 = arith.constant 0 : index
    %get3A_7 = vector.load %arg1[%get3A_5, %get3A_6] : memref<32x10240xf32, #tpu.memory_space<vmem>>, vector<32x10240xf32>
    %reduce_sum3A_8 = arith.constant dense<0.000000e+00> : vector<10240xf32>
    %reduce_sum3A_9 = vector.multi_reduction <add>, %get3A_7, %reduce_sum3A_8 [0] : vector<32x10240xf32> to vector<10240xf32>
    %broadcast_in_dim3A_10 = vector.shape_cast %reduce_sum3A_9 : vector<10240xf32> to vector<1x10240xf32>
    %mul3A = arith.mulf %broadcast_in_dim3A_10, %rsqrt3A : vector<1x10240xf32>
    %slice3A = vector.extract_strided_slice %mul3A {offsets = [0, 0], sizes = [1, 10000], strides = [1, 1]} : vector<1x10240xf32> to vector<1x10000xf32>
    %get3A_11 = arith.constant 0 : index
    %get3A_12 = arith.constant 0 : index
    %get3A_13 = vector.load %arg2[%get3A_11, %get3A_12] : memref<10000x128xf32, #tpu.memory_space<vmem>>, vector<10000x128xf32>
    %dot_general3A = arith.constant dense<0.000000e+00> : vector<1x128xf32>
    %dot_general3A_14 = tpu.matmul %slice3A, %get3A_13, %dot_general3A {dimension_numbers = #tpu.dot_dimension_numbers<[1], [0], [0], [1], [0, 0, 1, 1], [], []>, transpose_lhs_hint = false} : vector<1x10000xf32>, vector<10000x128xf32>, vector<1x128xf32> -> vector<1x128xf32>
    %mul3A_15 = arith.constant 9.99999974E-5 : f32
    %mul3A_16 = vector.broadcast %mul3A_15 : f32 to vector<1x128xf32>
    %mul3A_17 = arith.mulf %dot_general3A_14, %mul3A_16 : vector<1x128xf32>
    %get3A_18 = arith.constant 0 : index
    %get3A_19 = arith.constant 0 : index
    %get3A_20 = vector.load %arg3[%get3A_18, %get3A_19] : memref<128x256xf32, #tpu.memory_space<vmem>>, vector<128x256xf32>
    %dot_general3A_21 = arith.constant dense<0.000000e+00> : vector<1x256xf32>
    %dot_general3A_22 = tpu.matmul %mul3A_17, %get3A_20, %dot_general3A_21 {dimension_numbers = #tpu.dot_dimension_numbers<[1], [0], [0], [1], [0, 0, 1, 1], [], []>, transpose_lhs_hint = false} : vector<1x128xf32>, vector<128x256xf32>, vector<1x256xf32> -> vector<1x256xf32>
    %get3A_23 = arith.constant 0 : index
    %get3A_24 = vector.load %arg4[%get3A_23] : memref<256xf32, #tpu.memory_space<vmem>>, vector<256xf32>
    %broadcast_in_dim3A_25 = vector.shape_cast %get3A_24 : vector<256xf32> to vector<1x256xf32>
    %add3A = arith.addf %dot_general3A_22, %broadcast_in_dim3A_25 : vector<1x256xf32>
    %get3A_26 = arith.constant 0 : index
    %get3A_27 = arith.constant 0 : index
    %get3A_28 = vector.load %arg5[%get3A_26, %get3A_27] : memref<256x128xf32, #tpu.memory_space<vmem>>, vector<256x128xf32>
    %dot_general3A_29 = arith.constant dense<0.000000e+00> : vector<1x128xf32>
    %dot_general3A_30 = tpu.matmul %add3A, %get3A_28, %dot_general3A_29 {dimension_numbers = #tpu.dot_dimension_numbers<[1], [0], [0], [1], [0, 0, 1, 1], [], []>, transpose_lhs_hint = false} : vector<1x256xf32>, vector<256x128xf32>, vector<1x128xf32> -> vector<1x128xf32>
    %get3A_31 = arith.constant 0 : index
    %get3A_32 = vector.load %arg6[%get3A_31] : memref<128xf32, #tpu.memory_space<vmem>>, vector<128xf32>
    %broadcast_in_dim3A_33 = vector.shape_cast %get3A_32 : vector<128xf32> to vector<1x128xf32>
    %add3A_34 = arith.addf %dot_general3A_30, %broadcast_in_dim3A_33 : vector<1x128xf32>
    %max3A_35 = arith.constant 0.000000e+00 : f32
    %max3A_36 = vector.broadcast %max3A_35 : f32 to vector<1x128xf32>
    %max3A_37 = arith.maximumf %add3A_34, %max3A_36 : vector<1x128xf32>
    %get3A_38 = arith.constant 0 : index
    %get3A_39 = arith.constant 0 : index
    %get3A_40 = vector.load %arg7[%get3A_38, %get3A_39] : memref<128x1xf32, #tpu.memory_space<vmem>>, vector<128x1xf32>
    %dot_general3A_41 = arith.constant dense<0.000000e+00> : vector<1x1xf32>
    %dot_general3A_42 = tpu.matmul %max3A_37, %get3A_40, %dot_general3A_41 {dimension_numbers = #tpu.dot_dimension_numbers<[1], [0], [0], [1], [0, 0, 1, 1], [], []>, transpose_lhs_hint = false} : vector<1x128xf32>, vector<128x1xf32>, vector<1x1xf32> -> vector<1x1xf32>
    %get3A_43 = arith.constant 0 : index
    %get3A_44 = vector.load %arg8[%get3A_43] : memref<1xf32, #tpu.memory_space<vmem>>, vector<1xf32>
    %broadcast_in_dim3A_45 = vector.shape_cast %get3A_44 : vector<1xf32> to vector<1x1xf32>
    %add3A_46 = arith.addf %dot_general3A_42, %broadcast_in_dim3A_45 : vector<1x1xf32>
    %logistic3A = arith.negf %add3A_46 : vector<1x1xf32>
    %logistic3A_47 = math.exp %logistic3A : vector<1x1xf32>
    %logistic3A_48 = arith.constant 1.000000e+00 : f32
    %logistic3A_49 = vector.broadcast %logistic3A_48 : f32 to vector<1x1xf32>
    %logistic3A_50 = arith.addf %logistic3A_49, %logistic3A_47 : vector<1x1xf32>
    %logistic3A_51 = arith.divf %logistic3A_49, %logistic3A_50 : vector<1x1xf32>
    %swap3A = arith.constant 0 : index
    %swap3A_52 = arith.constant 0 : index
    %swap3A_53 = vector.load %arg9[%swap3A, %swap3A_52] : memref<1x1xf32, #tpu.memory_space<vmem>>, vector<1x1xf32>
    tpu.vector_store %arg9[%swap3A, %swap3A_52], %logistic3A_51 {strides = array<i32>} : memref<1x1xf32, #tpu.memory_space<vmem>>, vector<1x1xf32>,
    return
  }
}

</mosaic_0001>

<sc_bundles>
// kernel: kernel.4.cloned.1.call-start
scs
__scs_entry_jumppad:
0x0: {  	(pc) =	sbr.rel $0x88, $3  }
0x1: {  	(tag) =	ssettag $0x0;
	lr =	simm.s32 $0x1  }
0x2: {  	[smem:$0x3F99] =	sst lr;
	_ =	strace $0xD0000000  }
0x3: {  	_ = 	snop  }
0x4: {  	_ = 	snop  }
0x5: {  	_ = 	snop  }
0x6: {  	_ = 	snop  }
0x7: {  	_ = 	snop  }
__scs_overlays_trampoline_lowered:
0x8: {  	[smem:$0x3FA8] =	sst s0  }
0x9: {  	[smem:$0x3FA9] =	sst s1  }
0xa: {  	[smem:$0x3FAA] =	sst s2  }
0xb: {  	[smem:$0x3FAB] =	sst s3  }
0xc: {  	[smem:$0x3FAC] =	sst s4  }
0xd: {  	[smem:$0x3FAD] =	sst s5  }
0xe: {  	[smem:$0x3FAE] =	sst s6  }
0xf: {  	[smem:$0x3FAF] =	sst s7  }
0x10: {  	[smem:$0x3FB0] =	sst s8  }
0x11: {  	[smem:$0x3FB1] =	sst s9;
	s0 =	simm.s32 @!p0 $0x0  }
0x12: {  	s1 =	sld [smem:$0x3F97];
	s0 =	simm.s32 @p0 $0x1  }
0x13: {  	[smem:$0x3FB2] =	sst s0;
	s0 =	simm.s32 @!p1 $0x0  }
0x14: {  	s2 =	sld [smem:$0x3F96];
	s0 =	simm.s32 @p1 $0x1  }
0x15: {  	[smem:$0x3FB3] =	sst s0;
	s0 =	simm.s32 @!p2 $0x0  }
0x16: {  	s3 =	sld [smem:$0x3FDB];
	s0 =	simm.s32 @p2 $0x1  }
0x17: {  	s4 =	simm.s32 $0x1BF5;
	[smem:$0x3FB5] =	sst s0  }
0x18: {  	s0 =	sld [smem:$0x3F98];
	_ =	swait.ge [sflag:s4], $0x0  }
0x19: {  	s7 =	sld [smem:$0x3F99]  }
0x1a: {  	s8 =	sadd.s32 $0xFFFFE003, lr  }
0x1b: {  	s9 =	sadd.s32 $0xFFFFFEF7, lr;
	s5 =	simm.s32 $0xFFFFFFFF;
	p2 =	slt.u32 s8, $0xFFFFF086  }
0x1c: {  	p1 =	slt.u32 s9, $0xF7A;
	s5 =	simm.s32 @!p2 $0x0  }
0x1d: {  	s5 =	simm.s32 @p1 $0x1;
	p0 =	seq.s32 s7, s2  }
0x1e: {  	s7 =	smul.u32 @!p0 $0xF7A, s2;
	p2 =	seq.s32 @!p0 s5, $0x0  }
0x1f: {  	s9 =	smul.u32 $0xF7A, s1;
	s8 =	simm.s32 @!p0 $0x1BF5;
	p2 =	por !p2, p0  }
0x20: {  	[sflag:s8] =	ssyncset.s32 @!p0 $0xFFFFF086;
	s6 =	sadd.s32 @!p0 s3, s7;
	s7 =	simm.s32 @!p0 $0x108  }
0x21: {  	s3 =	sadd.s32 s3, s9;
	s6 =	sadd.s32 @!p0 $0x88, s6;
	s7 =	simm.s32 @p2 $0x1082  }
0x22: {  	[simem:s7], [sflag:s8] =	dma.local @!p0 [hbm:s6], $0xF7A  }
0x23: {  	s9 =	sor.u32 $0xD0000000, s2;
	s6 =	simm.s32 $0x108;
	_ =	swait.ge @!p0 [sflag:s8], $0x0  }
0x24: {  	s3 =	sadd.s32 $0x88, s3;
	s6 =	simm.s32 @!p1 $0x1082;
	[sflag:s4] =	ssyncset.s32 $0xFFFFF086  }
0x25: {  	[simem:s6], [sflag:s4] =	dma.local [hbm:s3], $0xF7A  }
0x26: {  	[smem:$0x3F99] =	sst s1;
	(tag) =	ssettag s2;
	_ =	strace s9  }
0x27: {  	s1 =	sld [smem:$0x3FA9]  }
0x28: {  	s2 =	sld [smem:$0x3FAA]  }
0x29: {  	s4 =	sld [smem:$0x3FAC]  }
0x2a: {  	p0 =	seq.s32 s5, $0x0;
	s5 =	sld [smem:$0x3FAD]  }
0x2b: {  	s6 =	sld [smem:$0x3FAE]  }
0x2c: {  	s7 =	sld [smem:$0x3FAF]  }
0x2d: {  	s3 =	simm.s32 $0x108;
	s8 =	sld [smem:$0x3FB0]  }
0x2e: {  	s3 =	simm.s32 @!p0 $0x1082;
	s9 =	sld [smem:$0x3FB1]  }
0x2f: {  	lr =	sadd.s32 s0, s3;
	s0 =	sld [smem:$0x3FA8]  }
0x30: {  	s3 =	sld [smem:$0x3FAB]  }
0x31: {  	[smem:$0x3FB4] =	sst s10  }
0x32: {  	s10 =	sld [smem:$0x3FB2];
	_ =	sdelay $0x3  }
0x33: {  	p0 =	seq.s32 s10, $0x1;
	s10 =	sld [smem:$0x3FB4];
	_ =	sdelay $0x3  }
0x34: {  	[smem:$0x3FB4] =	sst s10  }
0x35: {  	s10 =	sld [smem:$0x3FB3];
	_ =	sdelay $0x3  }
0x36: {  	p1 =	seq.s32 s10, $0x1;
	s10 =	sld [smem:$0x3FB4];
	_ =	sdelay $0x3  }
0x37: {  	[smem:$0x3FB4] =	sst s10  }
0x38: {  	s10 =	sld [smem:$0x3FB5]  }
0x39: {  	_ = 	snop;
	(pc) =	sbr.ind lr, $3  }
0x3a: {  	_ = 	snop  }
0x3b: {  	_ = 	snop  }
0x3c: {  	p2 =	seq.s32 s10, $0x1;
	s10 =	sld [smem:$0x3FB4]  }
0x3d: {  	_ =	shalt  }
0x3e: {  	_ =	shalt  }
0x3f: {  	_ =	shalt  }
0x40: {  	_ =	shalt  }
0x41: {  	_ =	shalt  }
0x42: {  	_ =	shalt  }
0x43: {  	_ =	shalt  }
0x44: {  	_ =	shalt  }
0x45: {  	_ =	shalt  }
0x46: {  	_ =	shalt  }
0x47: {  	_ =	shalt  }
0x48: {  	_ =	shalt  }
0x49: {  	_ =	shalt  }
0x4a: {  	_ =	shalt  }
0x4b: {  	_ =	shalt  }
0x4c: {  	_ =	shalt  }
0x4d: {  	_ =	shalt  }
0x4e: {  	_ =	shalt  }
0x4f: {  	_ =	shalt  }
0x50: {  	_ =	shalt  }
0x51: {  	_ =	shalt  }
0x52: {  	_ =	shalt  }
0x53: {  	_ =	shalt  }
0x54: {  	_ =	shalt  }
0x55: {  	_ =	shalt  }
0x56: {  	_ =	shalt  }
0x57: {  	_ =	shalt  }
0x58: {  	_ =	shalt  }
0x59: {  	_ =	shalt  }
0x5a: {  	_ =	shalt  }
0x5b: {  	_ =	shalt  }
0x5c: {  	_ =	shalt  }
0x5d: {  	_ =	shalt  }
0x5e: {  	_ =	shalt  }
0x5f: {  	_ =	shalt  }
0x60: {  	_ =	shalt  }
0x61: {  	_ =	shalt  }
0x62: {  	_ =	shalt  }
0x63: {  	_ =	shalt  }
0x64: {  	_ =	shalt  }
0x65: {  	_ =	shalt  }
0x66: {  	_ =	shalt  }
0x67: {  	_ =	shalt  }
0x68: {  	_ =	shalt  }
0x69: {  	_ =	shalt  }
0x6a: {  	_ =	shalt  }
0x6b: {  	_ =	shalt  }
0x6c: {  	_ =	shalt  }
0x6d: {  	_ =	shalt  }
0x6e: {  	_ =	shalt  }
0x6f: {  	_ =	shalt  }
0x70: {  	_ =	shalt  }
0x71: {  	_ =	shalt  }
0x72: {  	_ =	shalt  }
0x73: {  	_ =	shalt  }
0x74: {  	_ =	shalt  }
0x75: {  	_ =	shalt  }
0x76: {  	_ =	shalt  }
0x77: {  	_ =	shalt  }
0x78: {  	_ =	shalt  }
0x79: {  	_ =	shalt  }
0x7a: {  	_ =	shalt  }
0x7b: {  	_ =	shalt  }
0x7c: {  	_ =	shalt  }
0x7d: {  	_ =	shalt  }
0x7e: {  	_ =	shalt  }
0x7f: {  	_ =	shalt  }
0x80: {  	_ =	shalt  }
0x81: {  	_ =	shalt  }
0x82: {  	_ =	shalt  }
0x83: {  	_ =	shalt  }
0x84: {  	_ =	shalt  }
0x85: {  	_ =	shalt  }
0x86: {  	_ =	shalt  }
0x87: {  	_ =	shalt  }
.Lfunc_end0:
.L_simem_size_0:
called_computation_lowered:
.L_overlay_start_0:
0x88: {  	s2 =	sld [smem:$0x3FD9]  }
0x89: {  	s3 =	sld [smem:$0x3FFE];
	_ =	sdelay $0x1  }
0x8a: {  	s1 =	srdreg.scid  }
0x8b: {  	s0 =	sand.u32 $0x1, s1  }
0x8c: {  	s17 =	sshll.u32 s0, $0xA;
	s2 =	sadd.s32 s3, s2  }
0x8d: {  	s2 =	sadd.s32 s2, s17  }
0x8e: {  	[smem:$0x3FC0] =	sst s2  }
0x8f: {  	_ = 	snop  }
0x90: {  	s2 =	sld [smem:$0x3FC8];
	(tm) =	ssettm $0x1  }
0x91: {  	s18 =	sld [smem:$0x3FFB];
	_ =	sdelay $0x3  }
0x92: {  	_ =	strace s18  }
0x93: {  	s3 =	sld [smem:$0x3FFC];
	_ =	sdelay $0x3  }
0x94: {  	_ =	strace s3  }
0x95: {  	s3 =	sld [smem:$0x3FFD];
	_ =	sdelay $0x3  }
0x96: {  	_ =	strace s3  }
0x97: {  	_ =	strace $0x8FFFFFFF  }
0x98: {  	s19 =	sld [smem:$0x3FDB];
	_ =	sdelay $0x1  }
0x99: {  	s4 =	simm.s32 $_scs_section_size  }
0x9a: {  	s5 =	simm.s32 $_size__tile_overlayer_lowered;
	s6 =	simm.s32 $_tile_overlayer_lowered  }
0x9b: {  	s22 =	simm.s32 $0x1BFF;
	s21 =	sshll.u32 s6, $0x1;
	s3 =	sadd.s32 s4, s19  }
0x9c: {  	s7 =	simm.s32 $0x0;
	s20 =	sshll.u32 s5, $0x1;
	s5 =	sadd.s32 s21, s3  }
0x9d: {  	[timem:s7], [sflag:s22] =	dma.local [hbm:s5], s20  }
0x9e: {  	_ =	swait.ge [sflag:s22], s20  }
0x9f: {  	s4 =	ssub.s32 $0x0, s20;
	[sflag:s22] =	ssyncset.done $0x0  }
0xa0: {  	[sflag:s22] =	ssyncadd.s32 s4;
	_ =	sdelay $0x1  }
0xa1: {  	s23 =	simm.s32 $0x1B8B  }
0xa2: {  	_ =	swait.ge [sflag:s23], $0x1  }
0xa3: {  	[sflag:s23] =	ssyncset.done $0x0  }
0xa4: {  	s25 =	simm.s32 $0x1B8E;
	s24 =	sld [smem:$0x3FFE];
	[sflag:s23] =	ssyncadd.s32 $0xFFFFFFFF  }
0xa5: {  	s26 =	simm.s32 $execute0_lowered;
	[smem:$0x3FD2] =	sst s25  }
0xa6: {  	s5 =	sshll.u32 s26, $0x1;
	_ =	strace $0x80000046;
	[dreg:$0x1] =	wrdreg $0xFFFFFFFF  }
0xa7: {  	s28 =	simm.s32 $_size_execute0_lowered;
	s3 =	sadd.s32 s3, s5;
	[dreg:$0x0] =	wrdreg $0x0  }
0xa8: {  	s5 =	sshll.u32 s28, $0x1;
	[dreg:$0x2] =	wrdreg s3  }
0xa9: {  	[dreg:$0x3] =	wrdreg s5  }
0xaa: {  	[dreg:$0x4] =	wrdreg $0xC0  }
0xab: {  	_ =	task [dreg:s7], $0x5FFFF  }
0xac: {  	[dreg:$0x1] =	wrdreg $0xFFFFFFFF  }
0xad: {  	[dreg:$0x0] =	wrdreg $0x60  }
0xae: {  	[dreg:$0x2] =	wrdreg s2  }
0xaf: {  	[dreg:$0x3] =	wrdreg s24  }
0xb0: {  	[dreg:$0x4] =	wrdreg $0x16C800  }
0xb1: {  	[dreg:$0x5] =	wrdreg $0x194800  }
0xb2: {  	[dreg:$0x6] =	wrdreg $0x9  }
0xb3: {  	_ =	task.clear_ibuf [dreg:s7], $0x7FFFF;
	_ =	strace $0x90000046  }
0xb4: {  	s29 =	simm.s32 $0x9;
	_ =	strace $0x80000048  }
0xb5: {  	_ =	swait.ge [sflag:s29], $0x1  }
0xb6: {  	[sflag:s29] =	ssyncadd.s32 $0xFFFFFFFF  }
0xb7: {  	_ =	strace $0x90000048  }
0xb8: {  	_ =	sfence  }
0xb9: {  	s30 =	sld [smem:$0x0];
	_ =	sdelay $0x2  }
0xba: {  	s31 =	sshll.u32 s1, $0xD;
	s1 =	sshrl.u32 s1, $0x2  }
0xbb: {  	s3 =	sand.u32 $0x4000, s31;
	s1 =	sadd.s32 s1, s30  }
0xbc: {  	s0 =	sor.u32 s3, s0;
	s1 =	sshll.u32 s1, $0x11  }
0xbd: {  	s0 =	sor.u32 s1, s0  }
0xbe: {  	s0 =	sadd.s32 $0x8F2B, s0  }
0xbf: {  	[sflag:s0] =	ssyncadd.remote.s32 $0x1  }
0xc0: {  	_ =	sfence.sel $0xFFFF  }
0xc1: {  	[dreg:$0x0] =	wrdreg $0xFFFFFFFF;
	(pc) =	sbr.abs _section_cstart, $3  }
0xc2: {  	[dreg:$0x1] =	wrdreg $0xFFFFFFFF  }
0xc3: {  	_ =	task.clear_ibuf [dreg:s7], $0x2FFFF;
	_ =	strace $0x9FFFFFFF  }
0xc4: {  	(tm) =	ssettm $0x7FFFFFFF  }
0xc5: {  	_ =	shalt  }
tec
execute0_lowered:
.L_overlay_start_1:
0x0: {  	(tag) =	ssettag $0x1  }
0x1: {  	s1 =	rddreg [dreg:$0x0]  }
0x2: {  	s0 =	srdreg.scid;
	s3 =	rddreg [dreg:$0x1]  }
0x3: {  	s12 =	stileid.u32;
	s8 =	rddreg [dreg:$0x2]  }
0x4: {  	s11 =	rddreg [dreg:$0x3];
	s5 =	simm.s32 $0x0;
	s13 =	simm.s32 $0x2  }
0x5: {  	s14 =	simm.s32 $0xCA00;
	s15 =	simm.s32 $0xF200;
	s16 =	simm.s32 $0x1  }
0x6: {  	s17 =	simm.s32 $0x80;
	s18 =	simm.s32 $0x400;
	s22 =	smul.u32 $0x1C00, s12  }
0x7: {  	s0 =	sand.u32 $0x1, s0;
	s4 =	sshll.u32 s12, $0x7;
	s7 =	smul.u32 $0xCA0, s12  }
0x8: {  	[smem:$0x7FF] =	sst s5;
	s9 =	sshrl.u32 s12, $0x3;
	s29 =	smul.u32 $0x5000, s12  }
0x9: {  	s10 =	smul.u32 $0xA00, s12;
	p1 =	sne.s32 s12, $0xF;
	s2 =	sshll.u32 s0, $0x4  }
0xa: {  	s6 =	sand.u32 $0x380, s4;
	_ =	strace $0x80000047;
	s23 =	ssub.s32 $0x2, s0  }
0xb: {  	s9 =	smul.u32 $0x50000, s9;
	p0 =	sne.s32 s0, $0x0;
	s2 =	sor.u32 s12, s2  }
0xc: {  	s24 =	sshrl.u32 s23, $0x1;
	s25 =	smin.u32 s22, $0x19E00;
	s26 =	sadd.s32 s1, s7  }
0xd: {  	s30 =	sshrl.u32 s29, $0x2;
	s31 =	sshrl.u32 s10, $0x2;
	s2 =	sshrl.u32 s2, $0x3  }
0xe: {  	[dreg:$0x5] =	wrdreg s26;
	s5 =	sshrl.u32 s25, $0x2;
	s2 =	smul.u32 $0x14000, s2  }
0xf: {  	s28 =	sshrl.u32 s9, $0x2;
	s9 =	sadd.s32 s31, s11;
	s1 =	sadd.s32 s1, s5  }
.Ltmp0:
0x10: {  	s7 =	sadd.s32 s28, s8;
	s2 =	sor.u32 s6, s2;
	(pc) =	sbr.rel .LBB2_1-.Ltmp0, $4  }
0x11: {  	s8 =	sadd.s32 s30, s8;
	s1 =	sadd.s32 $0xCA00, s1;
	s2 =	sshrl.u32 s2, $0x3  }
0x12: {  	[dreg:$0x6] =	wrdreg s1;
	s6 =	sadd.s32 s6, s7;
	s2 =	sadd.s32 s2, s3  }
0x13: {  	s3 =	ssub.s32 s23, s24;
	s23 =	simm.s32 $0x11A00;
	s24 =	simm.s32 $0x0  }
0x14: {  	v0 =	vimm.f32 $0.0e+00;
	v1 =	vimm.f32 $1.000000000e+00;
	v2 =	vimm.s32 $0x2720;
	s7 =	sadd.s32 $0x1800, s2;
	s10 =	sadd.s32 $0xB800, s2;
	s11 =	smax.u32 s3, $0x1  }
.LBB2_34:
0x15: {  	_ =	sdelay $0x3  }
0x16: {  	[tilespmem:v4+s14+$0x0] =	vst.idx.add.f32.msk $0xffff, v3  }
.LBB2_35:
0x17: {  	s24 =	sadd.s32 $0x1, s24  }
0x18: {  	p2 =	sne.s32 s24, s11  }
.Ltmp1:
0x19: {  	_ = 	snop;
	(pc) =	sbr.rel @!p2 .LBB2_36-.Ltmp1, $4  }
0x1a: {  	[hbm4b:s10+s17] =	stream.strided.scatter [tilespmem:s14], [sflag:$0x2], $0x2800, s18, s17, $0x38;
	[tilespmem:$0x19700] =	vst v63  }
0x1b: {  	_ =	swait.ge [sflag:s13], $0x2800  }
0x1c: {  	[sflag:s13] =	ssyncset.done $0x0  }
0x1d: {  	[sflag:s13] =	ssyncadd.s32 $0xFFFFD800  }
.LBB2_1:
.Ltmp2:
0x1e: {  	(pc) =	sbr.rel @p0 .LBB2_13-.Ltmp2, $2  }
0x1f: {  	_ =	sdelay $0x2  }
0x20: {  	s0 =	simm.s32 $0x0  }
0x21: {  	s1 =	rddreg [dreg:$0x6];
	s2 =	simm.s32 $0x6500  }
0x22: {  	[tilespmem:s2], [sflag:$0x1] =	stream.linear.gather [hbm4b:s1+s0], $0x3800, $0x38;
	[tilespmem:$0x19700] =	vst v63  }
0x23: {  	s31 =	rddreg [dreg:$0x5]  }
0x24: {  	[tilespmem:s0], [sflag:$0x2] =	stream.linear.gather [hbm4b:s31+s0], $0x6500, $0x38;
	[tilespmem:$0x19700] =	vst v63  }
0x25: {  	_ =	swait.ge [sflag:s13], $0x6500  }
0x26: {  	[sflag:s13] =	ssyncset.done $0x0  }
0x27: {  	s0 =	simm.s32 $0xCA40;
	[sflag:s13] =	ssyncadd.s32 $0xFFFF9B00  }
0x28: {  	[tilespmem:s0+$0x30] =	vst v0  }
0x29: {  	[tilespmem:s0+$0xFFFFFFF0] =	vst v0  }
0x2a: {  	[tilespmem:s0+$0xFFFFFFC0] =	vst v0  }
0x2b: {  	[tilespmem:s0+$0xFFFFFFE0] =	vst v0  }
0x2c: {  	[tilespmem:s0+$0x10] =	vst v0  }
0x2d: {  	[tilespmem:s0+$0x20] =	vst v0  }
0x2e: {  	[tilespmem:s0+$0x0] =	vst v0  }
0x2f: {  	s1 =	simm.s32 $0xF240;
	[tilespmem:s0+$0xFFFFFFD0] =	vst v0  }
0x30: {  	[tilespmem:s1+$0xFFFFFFC0] =	vst v0  }
0x31: {  	[tilespmem:s1+$0x30] =	vst v0  }
0x32: {  	[tilespmem:s1+$0x20] =	vst v0  }
0x33: {  	[tilespmem:s1+$0x10] =	vst v0  }
0x34: {  	[tilespmem:s1+$0xFFFFFFE0] =	vst v0  }
0x35: {  	[tilespmem:s1+$0x0] =	vst v0  }
0x36: {  	s2 =	simm.s32 $0x0;
	[tilespmem:s1+$0xFFFFFFF0] =	vst v0  }
.LBB2_3:
0x37: {  	s2 =	sadd.s32 $0x8, s2;
	[tilespmem:s1+$0xFFFFFFD0] =	vst v0;
	s0 =	sadd.s32 $0x80, s0;
	s1 =	sadd.s32 $0x80, s1  }
0x38: {  	[tilespmem:s0+$0x30] =	vst v0;
	p2 =	slt.u32 s2, $0x278  }
0x39: {  	[tilespmem:s0+$0xFFFFFFF0] =	vst v0  }
0x3a: {  	[tilespmem:s0+$0xFFFFFFC0] =	vst v0  }
0x3b: {  	[tilespmem:s1+$0xFFFFFFC0] =	vst v0  }
0x3c: {  	[tilespmem:s1+$0x30] =	vst v0  }
0x3d: {  	[tilespmem:s0+$0xFFFFFFE0] =	vst v0  }
0x3e: {  	[tilespmem:s0+$0x10] =	vst v0  }
0x3f: {  	[tilespmem:s0+$0x20] =	vst v0  }
0x40: {  	[tilespmem:s1+$0x20] =	vst v0  }
0x41: {  	[tilespmem:s1+$0x10] =	vst v0  }
.Ltmp3:
0x42: {  	[tilespmem:s1+$0xFFFFFFE0] =	vst v0;
	(pc) =	sbr.rel @p2 .LBB2_3-.Ltmp3, $4  }
0x43: {  	[tilespmem:s0+$0x0] =	vst v0  }
0x44: {  	[tilespmem:s1+$0x0] =	vst v0  }
0x45: {  	[tilespmem:s1+$0xFFFFFFF0] =	vst v0  }
0x46: {  	s3 =	simm.s32 $0x80;
	[tilespmem:s0+$0xFFFFFFD0] =	vst v0  }
0x47: {  	[tilespmem:s1+$0xFFFFFFD0] =	vst v0  }
0x48: {  	v3 =	vld [tilespmem:s3+$0xFFFFFFF0]  }
0x49: {  	v4 =	vld [tilespmem:s3+$0xFFFFFF90]  }
0x4a: {  	v5 =	vld [tilespmem:s3+$0xFFFFFFA0]  }
0x4b: {  	v6 =	vld [tilespmem:s3+$0xFFFFFFB0]  }
0x4c: {  	v7 =	vld [tilespmem:s3+$0xFFFFFFC0]  }
0x4d: {  	v8 =	vld [tilespmem:s3+$0xFFFFFFD0]  }
0x4e: {  	v10 =	vld [tilespmem:s3+$0xFFFFFF80]  }
0x4f: {  	v9 =	vld [tilespmem:s3+$0xFFFFFFE0]  }
0x50: {  	[tilespmem:v3+s14+$0x0] =	vst.idx.add.f32.msk $0xffff, v1  }
0x51: {  	[tilespmem:v4+s14+$0x0] =	vst.idx.add.f32.msk $0xffff, v1  }
0x52: {  	[tilespmem:v5+s14+$0x0] =	vst.idx.add.f32.msk $0xffff, v1  }
0x53: {  	[tilespmem:v6+s14+$0x0] =	vst.idx.add.f32.msk $0xffff, v1  }
0x54: {  	[tilespmem:v7+s14+$0x0] =	vst.idx.add.f32.msk $0xffff, v1  }
0x55: {  	[tilespmem:v8+s14+$0x0] =	vst.idx.add.f32.msk $0xffff, v1  }
0x56: {  	[tilespmem:v10+s14+$0x0] =	vst.idx.add.f32.msk $0xffff, v1  }
0x57: {  	v3 =	vld [tilespmem:s3+$0x70]  }
0x58: {  	[tilespmem:v9+s14+$0x0] =	vst.idx.add.f32.msk $0xffff, v1  }
0x59: {  	v4 =	vld [tilespmem:s3+$0x0]  }
0x5a: {  	v5 =	vld [tilespmem:s3+$0x10]  }
0x5b: {  	v60 =	vld [tilespmem:s3+$0x20]  }
0x5c: {  	v61 =	vld [tilespmem:s3+$0x30]  }
0x5d: {  	v62 =	vld [tilespmem:s3+$0x40]  }
0x5e: {  	v63 =	vld [tilespmem:s3+$0x50]  }
0x5f: {  	[tilespmem:v3+s15+$0x0] =	vst.idx.add.f32.msk $0xffff, v1  }
0x60: {  	v3 =	vld [tilespmem:s3+$0x60]  }
0x61: {  	[tilespmem:v4+s15+$0x0] =	vst.idx.add.f32.msk $0xffff, v1  }
0x62: {  	[tilespmem:v5+s15+$0x0] =	vst.idx.add.f32.msk $0xffff, v1  }
0x63: {  	[tilespmem:v60+s15+$0x0] =	vst.idx.add.f32.msk $0xffff, v1  }
0x64: {  	[tilespmem:v61+s15+$0x0] =	vst.idx.add.f32.msk $0xffff, v1  }
0x65: {  	[tilespmem:v62+s15+$0x0] =	vst.idx.add.f32.msk $0xffff, v1  }
0x66: {  	s0 =	simm.s32 $0x0;
	s1 =	simm.s32 $0x180;
	[tilespmem:v63+s15+$0x0] =	vst.idx.add.f32.msk $0xffff, v1  }
.LBB2_5:
0x67: {  	v4 =	vld [tilespmem:s1+$0xFFFFFFF0];
	s0 =	sadd.s32 $0x8, s0  }
0x68: {  	v5 =	vld [tilespmem:s1+$0xFFFFFF90];
	p2 =	slt.u32 s0, $0x320  }
0x69: {  	v6 =	vld [tilespmem:s1+$0xFFFFFFA0]  }
0x6a: {  	v7 =	vld [tilespmem:s1+$0xFFFFFFB0]  }
0x6b: {  	v8 =	vld [tilespmem:s1+$0xFFFFFFC0]  }
0x6c: {  	v9 =	vld [tilespmem:s1+$0xFFFFFFD0]  }
0x6d: {  	v10 =	vld [tilespmem:s1+$0xFFFFFFE0]  }
0x6e: {  	v11 =	vld [tilespmem:s1+$0xFFFFFF80]  }
0x6f: {  	[tilespmem:v4+s14+$0x0] =	vst.idx.add.f32.msk $0xffff, v1  }
0x70: {  	v4 =	vld [tilespmem:s1+$0x70]  }
0x71: {  	[tilespmem:v5+s14+$0x0] =	vst.idx.add.f32.msk $0xffff, v1  }
0x72: {  	[tilespmem:v6+s14+$0x0] =	vst.idx.add.f32.msk $0xffff, v1  }
0x73: {  	[tilespmem:v7+s14+$0x0] =	vst.idx.add.f32.msk $0xffff, v1  }
0x74: {  	[tilespmem:v8+s14+$0x0] =	vst.idx.add.f32.msk $0xffff, v1  }
0x75: {  	[tilespmem:v9+s14+$0x0] =	vst.idx.add.f32.msk $0xffff, v1  }
0x76: {  	[tilespmem:v11+s14+$0x0] =	vst.idx.add.f32.msk $0xffff, v1  }
0x77: {  	[tilespmem:v10+s14+$0x0] =	vst.idx.add.f32.msk $0xffff, v1  }
0x78: {  	[tilespmem:v4+s15+$0x0] =	vst.idx.add.f32.msk $0xffff, v1  }
0x79: {  	v4 =	vld [tilespmem:s1+$0x0]  }
0x7a: {  	v5 =	vld [tilespmem:s1+$0x10]  }
0x7b: {  	v6 =	vld [tilespmem:s1+$0x20]  }
0x7c: {  	v7 =	vld [tilespmem:s1+$0x30]  }
0x7d: {  	v8 =	vld [tilespmem:s1+$0x40]  }
0x7e: {  	v9 =	vld [tilespmem:s1+$0x50]  }
0x7f: {  	v10 =	vld [tilespmem:s1+$0x60]  }
0x80: {  	[tilespmem:v3+s15+$0x0] =	vst.idx.add.f32.msk $0xffff, v1  }
0x81: {  	[tilespmem:v4+s15+$0x0] =	vst.idx.add.f32.msk $0xffff, v1  }
.Ltmp4:
0x82: {  	[tilespmem:v5+s15+$0x0] =	vst.idx.add.f32.msk $0xffff, v1;
	(pc) =	sbr.rel @p2 .LBB2_5-.Ltmp4, $4  }
0x83: {  	[tilespmem:v6+s15+$0x0] =	vst.idx.add.f32.msk $0xffff, v1  }
0x84: {  	[tilespmem:v7+s15+$0x0] =	vst.idx.add.f32.msk $0xffff, v1;
	v3 =	vmov v10  }
0x85: {  	[tilespmem:v8+s15+$0x0] =	vst.idx.add.f32.msk $0xffff, v1  }
0x86: {  	s1 =	sadd.s32 $0x100, s1;
	[tilespmem:v9+s15+$0x0] =	vst.idx.add.f32.msk $0xffff, v1  }
0x87: {  	_ =	sdelay $0x2  }
.Ltmp5:
0x88: {  	_ = 	snop;
	(pc) =	sbr.rel @p1 .LBB2_10-.Ltmp5, $4  }
0x89: {  	[tilespmem:v3+s15+$0x0] =	vst.idx.add.f32.msk $0xffff, v1  }
0x8a: {  	_ =	swait.ge [sflag:s16], $0x3800  }
0x8b: {  	[sflag:s16] =	ssyncset.done $0x0  }
0x8c: {  	[sflag:s16] =	ssyncadd.s32 $0xFFFFC800  }
0x8d: {  	s0 =	simm.s32 $0x6580  }
0x8e: {  	[tilespmem:s0+$0xFFFFFF80] =	vst v2  }
0x8f: {  	[tilespmem:s0+$0x70] =	vst v2  }
0x90: {  	[tilespmem:s0+$0xFFFFFFF0] =	vst v2  }
0x91: {  	[tilespmem:s0+$0x60] =	vst v2  }
0x92: {  	[tilespmem:s0+$0xFFFFFFE0] =	vst v2  }
0x93: {  	[tilespmem:s0+$0x50] =	vst v2  }
0x94: {  	[tilespmem:s0+$0xFFFFFFD0] =	vst v2  }
0x95: {  	[tilespmem:s0+$0x40] =	vst v2  }
0x96: {  	[tilespmem:s0+$0xFFFFFFC0] =	vst v2  }
0x97: {  	[tilespmem:s0+$0x30] =	vst v2  }
0x98: {  	[tilespmem:s0+$0xFFFFFFB0] =	vst v2  }
0x99: {  	[tilespmem:s0+$0x20] =	vst v2  }
0x9a: {  	[tilespmem:s0+$0xFFFFFFA0] =	vst v2  }
0x9b: {  	[tilespmem:s0+$0x10] =	vst v2  }
0x9c: {  	s1 =	simm.s32 $0x0;
	[tilespmem:s0+$0xFFFFFF90] =	vst v2  }
.LBB2_8:
0x9d: {  	s1 =	sadd.s32 $0x8, s1;
	[tilespmem:s0+$0x0] =	vst v2;
	s0 =	sadd.s32 $0x100, s0  }
0x9e: {  	[tilespmem:s0+$0xFFFFFF80] =	vst v2;
	p2 =	slt.u32 s1, $0x58  }
0x9f: {  	[tilespmem:s0+$0x70] =	vst v2  }
0xa0: {  	[tilespmem:s0+$0xFFFFFFF0] =	vst v2  }
0xa1: {  	[tilespmem:s0+$0x60] =	vst v2  }
0xa2: {  	[tilespmem:s0+$0xFFFFFFE0] =	vst v2  }
0xa3: {  	[tilespmem:s0+$0x50] =	vst v2  }
0xa4: {  	[tilespmem:s0+$0xFFFFFFD0] =	vst v2  }
0xa5: {  	[tilespmem:s0+$0x40] =	vst v2  }
0xa6: {  	[tilespmem:s0+$0xFFFFFFC0] =	vst v2  }
0xa7: {  	[tilespmem:s0+$0x30] =	vst v2  }
.Ltmp6:
0xa8: {  	[tilespmem:s0+$0xFFFFFFB0] =	vst v2;
	(pc) =	sbr.rel @p2 .LBB2_8-.Ltmp6, $4  }
0xa9: {  	[tilespmem:s0+$0x20] =	vst v2  }
0xaa: {  	[tilespmem:s0+$0xFFFFFFA0] =	vst v2  }
0xab: {  	[tilespmem:s0+$0x10] =	vst v2  }
0xac: {  	[tilespmem:s0+$0xFFFFFF90] =	vst v2  }
0xad: {  	[tilespmem:s0+$0x0] =	vst v2  }
.LBB2_10:
0xae: {  	s0 =	simm.s32 $0x65F0  }
0xaf: {  	v4 =	vld [tilespmem:s0+$0xFFFFFF90]  }
0xb0: {  	v5 =	vld [tilespmem:s0+$0x0]  }
0xb1: {  	v6 =	vld [tilespmem:s0+$0xFFFFFFF0]  }
0xb2: {  	v7 =	vld [tilespmem:s0+$0xFFFFFFE0]  }
0xb3: {  	v8 =	vld [tilespmem:s0+$0xFFFFFFD0]  }
0xb4: {  	v9 =	vld [tilespmem:s0+$0xFFFFFFC0]  }
0xb5: {  	v10 =	vld [tilespmem:s0+$0xFFFFFFB0]  }
0xb6: {  	v3 =	vld [tilespmem:s0+$0xFFFFFFA0]  }
0xb7: {  	[tilespmem:v4+s15+$0x0] =	vst.idx.add.f32.msk $0xffff, v1  }
0xb8: {  	[tilespmem:v5+s15+$0x0] =	vst.idx.add.f32.msk $0xffff, v1  }
0xb9: {  	[tilespmem:v6+s15+$0x0] =	vst.idx.add.f32.msk $0xffff, v1  }
0xba: {  	[tilespmem:v7+s15+$0x0] =	vst.idx.add.f32.msk $0xffff, v1  }
0xbb: {  	[tilespmem:v8+s15+$0x0] =	vst.idx.add.f32.msk $0xffff, v1  }
0xbc: {  	[tilespmem:v9+s15+$0x0] =	vst.idx.add.f32.msk $0xffff, v1  }
0xbd: {  	s1 =	simm.s32 $0x0;
	[tilespmem:v10+s15+$0x0] =	vst.idx.add.f32.msk $0xffff, v1  }
.LBB2_11:
0xbe: {  	s1 =	sadd.s32 $0x8, s1;
	[tilespmem:v3+s15+$0x0] =	vst.idx.add.f32.msk $0xffff, v1;
	s0 =	sadd.s32 $0x100, s0  }
0xbf: {  	v4 =	vld [tilespmem:s0+$0xFFFFFF90];
	p2 =	slt.u32 s1, $0x1B8  }
0xc0: {  	v5 =	vld [tilespmem:s0+$0x0]  }
0xc1: {  	v6 =	vld [tilespmem:s0+$0xFFFFFFF0]  }
0xc2: {  	v7 =	vld [tilespmem:s0+$0xFFFFFFE0]  }
0xc3: {  	v8 =	vld [tilespmem:s0+$0xFFFFFFD0]  }
0xc4: {  	v9 =	vld [tilespmem:s0+$0xFFFFFFC0]  }
0xc5: {  	v10 =	vld [tilespmem:s0+$0xFFFFFFB0]  }
0xc6: {  	v3 =	vld [tilespmem:s0+$0xFFFFFFA0]  }
0xc7: {  	[tilespmem:v4+s15+$0x0] =	vst.idx.add.f32.msk $0xffff, v1  }
0xc8: {  	[tilespmem:v5+s15+$0x0] =	vst.idx.add.f32.msk $0xffff, v1  }
.Ltmp7:
0xc9: {  	[tilespmem:v6+s15+$0x0] =	vst.idx.add.f32.msk $0xffff, v1;
	(pc) =	sbr.rel @p2 .LBB2_11-.Ltmp7, $4  }
0xca: {  	[tilespmem:v7+s15+$0x0] =	vst.idx.add.f32.msk $0xffff, v1  }
0xcb: {  	[tilespmem:v8+s15+$0x0] =	vst.idx.add.f32.msk $0xffff, v1  }
0xcc: {  	[tilespmem:v9+s15+$0x0] =	vst.idx.add.f32.msk $0xffff, v1  }
0xcd: {  	[tilespmem:v10+s15+$0x0] =	vst.idx.add.f32.msk $0xffff, v1  }
.Ltmp8:
0xce: {  	_ = 	snop;
	(pc) =	sbr.rel .LBB2_24-.Ltmp8, $2  }
0xcf: {  	_ =	sdelay $0x2  }
0xd0: {  	[tilespmem:v3+s15+$0x0] =	vst.idx.add.f32.msk $0xffff, v1  }
.LBB2_13:
0xd1: {  	s1 =	rddreg [dreg:$0x5];
	s2 =	simm.s32 $0x6500  }
0xd2: {  	[tilespmem:s2], [sflag:$0x1] =	stream.linear.gather [hbm4b:s1+s0], $0x6500, $0x38;
	[tilespmem:$0x19700] =	vst v63  }
.Ltmp9:
0xd3: {  	s31 =	rddreg [dreg:$0x6];
	(pc) =	sbr.rel @p1 .LBB2_17-.Ltmp9, $4  }
0xd4: {  	[tilespmem:s0], [sflag:$0x2] =	stream.linear.gather [hbm4b:s31+s0], $0x3800, $0x38;
	[tilespmem:$0x19700] =	vst v63  }
0xd5: {  	_ =	swait.ge [sflag:s13], $0x3800  }
0xd6: {  	[sflag:s13] =	ssyncset.done $0x0  }
0xd7: {  	[sflag:s13] =	ssyncadd.s32 $0xFFFFC800  }
0xd8: {  	s0 =	simm.s32 $0x80  }
0xd9: {  	[tilespmem:s0+$0xFFFFFF80] =	vst v2  }
0xda: {  	[tilespmem:s0+$0x70] =	vst v2  }
0xdb: {  	[tilespmem:s0+$0xFFFFFFF0] =	vst v2  }
0xdc: {  	[tilespmem:s0+$0x60] =	vst v2  }
0xdd: {  	[tilespmem:s0+$0xFFFFFFE0] =	vst v2  }
0xde: {  	[tilespmem:s0+$0x50] =	vst v2  }
0xdf: {  	[tilespmem:s0+$0xFFFFFFD0] =	vst v2  }
0xe0: {  	[tilespmem:s0+$0x40] =	vst v2  }
0xe1: {  	[tilespmem:s0+$0xFFFFFFC0] =	vst v2  }
0xe2: {  	[tilespmem:s0+$0x30] =	vst v2  }
0xe3: {  	[tilespmem:s0+$0xFFFFFFB0] =	vst v2  }
0xe4: {  	[tilespmem:s0+$0x20] =	vst v2  }
0xe5: {  	[tilespmem:s0+$0xFFFFFFA0] =	vst v2  }
0xe6: {  	[tilespmem:s0+$0x10] =	vst v2  }
0xe7: {  	s1 =	simm.s32 $0x0;
	[tilespmem:s0+$0xFFFFFF90] =	vst v2  }
.LBB2_15:
0xe8: {  	s1 =	sadd.s32 $0x8, s1;
	[tilespmem:s0+$0x0] =	vst v2;
	s0 =	sadd.s32 $0x100, s0  }
0xe9: {  	[tilespmem:s0+$0xFFFFFF80] =	vst v2;
	p2 =	slt.u32 s1, $0x58  }
0xea: {  	[tilespmem:s0+$0x70] =	vst v2  }
0xeb: {  	[tilespmem:s0+$0xFFFFFFF0] =	vst v2  }
0xec: {  	[tilespmem:s0+$0x60] =	vst v2  }
0xed: {  	[tilespmem:s0+$0xFFFFFFE0] =	vst v2  }
0xee: {  	[tilespmem:s0+$0x50] =	vst v2  }
0xef: {  	[tilespmem:s0+$0xFFFFFFD0] =	vst v2  }
0xf0: {  	[tilespmem:s0+$0x40] =	vst v2  }
0xf1: {  	[tilespmem:s0+$0xFFFFFFC0] =	vst v2  }
0xf2: {  	[tilespmem:s0+$0x30] =	vst v2  }
.Ltmp10:
0xf3: {  	[tilespmem:s0+$0xFFFFFFB0] =	vst v2;
	(pc) =	sbr.rel @p2 .LBB2_15-.Ltmp10, $4  }
0xf4: {  	[tilespmem:s0+$0x20] =	vst v2  }
0xf5: {  	[tilespmem:s0+$0xFFFFFFA0] =	vst v2  }
0xf6: {  	[tilespmem:s0+$0x10] =	vst v2  }
0xf7: {  	[tilespmem:s0+$0xFFFFFF90] =	vst v2  }
0xf8: {  	[tilespmem:s0+$0x0] =	vst v2  }
.LBB2_17:
0xf9: {  	s0 =	simm.s32 $0xCA40  }
0xfa: {  	[tilespmem:s0+$0x30] =	vst v0  }
0xfb: {  	[tilespmem:s0+$0xFFFFFFF0] =	vst v0  }
0xfc: {  	[tilespmem:s0+$0xFFFFFFC0] =	vst v0  }
0xfd: {  	[tilespmem:s0+$0xFFFFFFE0] =	vst v0  }
0xfe: {  	[tilespmem:s0+$0x10] =	vst v0  }
0xff: {  	[tilespmem:s0+$0x20] =	vst v0  }
0x100: {  	[tilespmem:s0+$0x0] =	vst v0  }
0x101: {  	s1 =	simm.s32 $0xF240;
	[tilespmem:s0+$0xFFFFFFD0] =	vst v0  }
0x102: {  	[tilespmem:s1+$0xFFFFFFC0] =	vst v0  }
0x103: {  	[tilespmem:s1+$0x30] =	vst v0  }
0x104: {  	[tilespmem:s1+$0x20] =	vst v0  }
0x105: {  	[tilespmem:s1+$0x10] =	vst v0  }
0x106: {  	[tilespmem:s1+$0xFFFFFFE0] =	vst v0  }
0x107: {  	[tilespmem:s1+$0x0] =	vst v0  }
0x108: {  	s2 =	simm.s32 $0x0;
	[tilespmem:s1+$0xFFFFFFF0] =	vst v0  }
.LBB2_18:
0x109: {  	s2 =	sadd.s32 $0x8, s2;
	[tilespmem:s1+$0xFFFFFFD0] =	vst v0;
	s0 =	sadd.s32 $0x80, s0;
	s1 =	sadd.s32 $0x80, s1  }
0x10a: {  	[tilespmem:s0+$0x30] =	vst v0;
	p2 =	slt.u32 s2, $0x278  }
0x10b: {  	[tilespmem:s0+$0xFFFFFFF0] =	vst v0  }
0x10c: {  	[tilespmem:s0+$0xFFFFFFC0] =	vst v0  }
0x10d: {  	[tilespmem:s1+$0xFFFFFFC0] =	vst v0  }
0x10e: {  	[tilespmem:s1+$0x30] =	vst v0  }
0x10f: {  	[tilespmem:s0+$0xFFFFFFE0] =	vst v0  }
0x110: {  	[tilespmem:s0+$0x10] =	vst v0  }
0x111: {  	[tilespmem:s0+$0x20] =	vst v0  }
0x112: {  	[tilespmem:s1+$0x20] =	vst v0  }
0x113: {  	[tilespmem:s1+$0x10] =	vst v0  }
.Ltmp11:
0x114: {  	[tilespmem:s1+$0xFFFFFFE0] =	vst v0;
	(pc) =	sbr.rel @p2 .LBB2_18-.Ltmp11, $4  }
0x115: {  	[tilespmem:s0+$0x0] =	vst v0  }
0x116: {  	[tilespmem:s1+$0x0] =	vst v0  }
0x117: {  	[tilespmem:s1+$0xFFFFFFF0] =	vst v0  }
0x118: {  	s3 =	simm.s32 $0x80;
	[tilespmem:s0+$0xFFFFFFD0] =	vst v0  }
0x119: {  	[tilespmem:s1+$0xFFFFFFD0] =	vst v0  }
0x11a: {  	v3 =	vld [tilespmem:s3+$0xFFFFFFF0]  }
0x11b: {  	v4 =	vld [tilespmem:s3+$0xFFFFFF90]  }
0x11c: {  	v5 =	vld [tilespmem:s3+$0xFFFFFFA0]  }
0x11d: {  	v6 =	vld [tilespmem:s3+$0xFFFFFFB0]  }
0x11e: {  	v7 =	vld [tilespmem:s3+$0xFFFFFFC0]  }
0x11f: {  	v8 =	vld [tilespmem:s3+$0xFFFFFFD0]  }
0x120: {  	v10 =	vld [tilespmem:s3+$0xFFFFFF80]  }
0x121: {  	v9 =	vld [tilespmem:s3+$0xFFFFFFE0]  }
0x122: {  	[tilespmem:v3+s14+$0x0] =	vst.idx.add.f32.msk $0xffff, v1  }
0x123: {  	[tilespmem:v4+s14+$0x0] =	vst.idx.add.f32.msk $0xffff, v1  }
0x124: {  	[tilespmem:v5+s14+$0x0] =	vst.idx.add.f32.msk $0xffff, v1  }
0x125: {  	[tilespmem:v6+s14+$0x0] =	vst.idx.add.f32.msk $0xffff, v1  }
0x126: {  	[tilespmem:v7+s14+$0x0] =	vst.idx.add.f32.msk $0xffff, v1  }
0x127: {  	[tilespmem:v8+s14+$0x0] =	vst.idx.add.f32.msk $0xffff, v1  }
0x128: {  	[tilespmem:v10+s14+$0x0] =	vst.idx.add.f32.msk $0xffff, v1  }
0x129: {  	v3 =	vld [tilespmem:s3+$0x70]  }
0x12a: {  	[tilespmem:v9+s14+$0x0] =	vst.idx.add.f32.msk $0xffff, v1  }
0x12b: {  	v4 =	vld [tilespmem:s3+$0x0]  }
0x12c: {  	v5 =	vld [tilespmem:s3+$0x10]  }
0x12d: {  	v60 =	vld [tilespmem:s3+$0x20]  }
0x12e: {  	v61 =	vld [tilespmem:s3+$0x30]  }
0x12f: {  	v62 =	vld [tilespmem:s3+$0x40]  }
0x130: {  	v63 =	vld [tilespmem:s3+$0x50]  }
0x131: {  	[tilespmem:v3+s15+$0x0] =	vst.idx.add.f32.msk $0xffff, v1  }
0x132: {  	v3 =	vld [tilespmem:s3+$0x60]  }
0x133: {  	[tilespmem:v4+s15+$0x0] =	vst.idx.add.f32.msk $0xffff, v1  }
0x134: {  	[tilespmem:v5+s15+$0x0] =	vst.idx.add.f32.msk $0xffff, v1  }
0x135: {  	[tilespmem:v60+s15+$0x0] =	vst.idx.add.f32.msk $0xffff, v1  }
0x136: {  	[tilespmem:v61+s15+$0x0] =	vst.idx.add.f32.msk $0xffff, v1  }
0x137: {  	[tilespmem:v62+s15+$0x0] =	vst.idx.add.f32.msk $0xffff, v1  }
0x138: {  	s0 =	simm.s32 $0x0;
	s1 =	simm.s32 $0x180;
	[tilespmem:v63+s15+$0x0] =	vst.idx.add.f32.msk $0xffff, v1  }
.LBB2_20:
0x139: {  	v4 =	vld [tilespmem:s1+$0xFFFFFFF0];
	s0 =	sadd.s32 $0x8, s0  }
0x13a: {  	v5 =	vld [tilespmem:s1+$0xFFFFFF90];
	p2 =	slt.u32 s0, $0x1B8  }
0x13b: {  	v6 =	vld [tilespmem:s1+$0xFFFFFFA0]  }
0x13c: {  	v7 =	vld [tilespmem:s1+$0xFFFFFFB0]  }
0x13d: {  	v8 =	vld [tilespmem:s1+$0xFFFFFFC0]  }
0x13e: {  	v9 =	vld [tilespmem:s1+$0xFFFFFFD0]  }
0x13f: {  	v10 =	vld [tilespmem:s1+$0xFFFFFFE0]  }
0x140: {  	v11 =	vld [tilespmem:s1+$0xFFFFFF80]  }
0x141: {  	[tilespmem:v4+s14+$0x0] =	vst.idx.add.f32.msk $0xffff, v1  }
0x142: {  	v4 =	vld [tilespmem:s1+$0x70]  }
0x143: {  	[tilespmem:v5+s14+$0x0] =	vst.idx.add.f32.msk $0xffff, v1  }
0x144: {  	[tilespmem:v6+s14+$0x0] =	vst.idx.add.f32.msk $0xffff, v1  }
0x145: {  	[tilespmem:v7+s14+$0x0] =	vst.idx.add.f32.msk $0xffff, v1  }
0x146: {  	[tilespmem:v8+s14+$0x0] =	vst.idx.add.f32.msk $0xffff, v1  }
0x147: {  	[tilespmem:v9+s14+$0x0] =	vst.idx.add.f32.msk $0xffff, v1  }
0x148: {  	[tilespmem:v11+s14+$0x0] =	vst.idx.add.f32.msk $0xffff, v1  }
0x149: {  	[tilespmem:v10+s14+$0x0] =	vst.idx.add.f32.msk $0xffff, v1  }
0x14a: {  	[tilespmem:v4+s15+$0x0] =	vst.idx.add.f32.msk $0xffff, v1  }
0x14b: {  	v4 =	vld [tilespmem:s1+$0x0]  }
0x14c: {  	v5 =	vld [tilespmem:s1+$0x10]  }
0x14d: {  	v6 =	vld [tilespmem:s1+$0x20]  }
0x14e: {  	v7 =	vld [tilespmem:s1+$0x30]  }
0x14f: {  	v8 =	vld [tilespmem:s1+$0x40]  }
0x150: {  	v9 =	vld [tilespmem:s1+$0x50]  }
0x151: {  	v10 =	vld [tilespmem:s1+$0x60]  }
0x152: {  	[tilespmem:v3+s15+$0x0] =	vst.idx.add.f32.msk $0xffff, v1  }
0x153: {  	[tilespmem:v4+s15+$0x0] =	vst.idx.add.f32.msk $0xffff, v1  }
.Ltmp12:
0x154: {  	[tilespmem:v5+s15+$0x0] =	vst.idx.add.f32.msk $0xffff, v1;
	(pc) =	sbr.rel @p2 .LBB2_20-.Ltmp12, $4  }
0x155: {  	[tilespmem:v6+s15+$0x0] =	vst.idx.add.f32.msk $0xffff, v1  }
0x156: {  	[tilespmem:v7+s15+$0x0] =	vst.idx.add.f32.msk $0xffff, v1;
	v3 =	vmov v10  }
0x157: {  	[tilespmem:v8+s15+$0x0] =	vst.idx.add.f32.msk $0xffff, v1  }
0x158: {  	s1 =	sadd.s32 $0x100, s1;
	[tilespmem:v9+s15+$0x0] =	vst.idx.add.f32.msk $0xffff, v1  }
0x159: {  	_ =	sdelay $0x3  }
0x15a: {  	[tilespmem:v3+s15+$0x0] =	vst.idx.add.f32.msk $0xffff, v1  }
0x15b: {  	_ =	swait.ge [sflag:s16], $0x6500  }
0x15c: {  	[sflag:s16] =	ssyncset.done $0x0  }
0x15d: {  	s0 =	simm.s32 $0x65F0;
	[sflag:s16] =	ssyncadd.s32 $0xFFFF9B00  }
0x15e: {  	v4 =	vld [tilespmem:s0+$0xFFFFFF90]  }
0x15f: {  	v5 =	vld [tilespmem:s0+$0x0]  }
0x160: {  	v6 =	vld [tilespmem:s0+$0xFFFFFFF0]  }
0x161: {  	v7 =	vld [tilespmem:s0+$0xFFFFFFE0]  }
0x162: {  	v8 =	vld [tilespmem:s0+$0xFFFFFFD0]  }
0x163: {  	v9 =	vld [tilespmem:s0+$0xFFFFFFC0]  }
0x164: {  	v10 =	vld [tilespmem:s0+$0xFFFFFFB0]  }
0x165: {  	v3 =	vld [tilespmem:s0+$0xFFFFFFA0]  }
0x166: {  	[tilespmem:v4+s15+$0x0] =	vst.idx.add.f32.msk $0xffff, v1  }
0x167: {  	[tilespmem:v5+s15+$0x0] =	vst.idx.add.f32.msk $0xffff, v1  }
0x168: {  	[tilespmem:v6+s15+$0x0] =	vst.idx.add.f32.msk $0xffff, v1  }
0x169: {  	[tilespmem:v7+s15+$0x0] =	vst.idx.add.f32.msk $0xffff, v1  }
0x16a: {  	[tilespmem:v8+s15+$0x0] =	vst.idx.add.f32.msk $0xffff, v1  }
0x16b: {  	[tilespmem:v9+s15+$0x0] =	vst.idx.add.f32.msk $0xffff, v1  }
0x16c: {  	s1 =	simm.s32 $0x0;
	[tilespmem:v10+s15+$0x0] =	vst.idx.add.f32.msk $0xffff, v1  }
.LBB2_22:
0x16d: {  	s1 =	sadd.s32 $0x8, s1;
	[tilespmem:v3+s15+$0x0] =	vst.idx.add.f32.msk $0xffff, v1;
	s0 =	sadd.s32 $0x100, s0  }
0x16e: {  	v4 =	vld [tilespmem:s0+$0xFFFFFF90];
	p2 =	slt.u32 s1, $0x320  }
0x16f: {  	v5 =	vld [tilespmem:s0+$0x0]  }
0x170: {  	v6 =	vld [tilespmem:s0+$0xFFFFFFF0]  }
0x171: {  	v7 =	vld [tilespmem:s0+$0xFFFFFFE0]  }
0x172: {  	v8 =	vld [tilespmem:s0+$0xFFFFFFD0]  }
0x173: {  	v9 =	vld [tilespmem:s0+$0xFFFFFFC0]  }
0x174: {  	v10 =	vld [tilespmem:s0+$0xFFFFFFB0]  }
0x175: {  	v3 =	vld [tilespmem:s0+$0xFFFFFFA0]  }
0x176: {  	[tilespmem:v4+s15+$0x0] =	vst.idx.add.f32.msk $0xffff, v1  }
0x177: {  	[tilespmem:v5+s15+$0x0] =	vst.idx.add.f32.msk $0xffff, v1  }
.Ltmp13:
0x178: {  	[tilespmem:v6+s15+$0x0] =	vst.idx.add.f32.msk $0xffff, v1;
	(pc) =	sbr.rel @p2 .LBB2_22-.Ltmp13, $4  }
0x179: {  	[tilespmem:v7+s15+$0x0] =	vst.idx.add.f32.msk $0xffff, v1  }
0x17a: {  	[tilespmem:v8+s15+$0x0] =	vst.idx.add.f32.msk $0xffff, v1  }
0x17b: {  	[tilespmem:v9+s15+$0x0] =	vst.idx.add.f32.msk $0xffff, v1  }
0x17c: {  	[tilespmem:v10+s15+$0x0] =	vst.idx.add.f32.msk $0xffff, v1  }
0x17d: {  	_ =	sdelay $0x3  }
0x17e: {  	[tilespmem:v3+s15+$0x0] =	vst.idx.add.f32.msk $0xffff, v1  }
.LBB2_24:
0x17f: {  	[spmem:s6] =	stream.strided.scatter [tilespmem:s15], [sflag:$0x2], $0x2800, s18, s17, $0x38;
	[tilespmem:$0x19700] =	vst v63  }
0x180: {  	_ =	swait.ge [sflag:s13], $0x2800  }
0x181: {  	[sflag:s13] =	ssyncset.done $0x0  }
0x182: {  	[sflag:s13] =	ssyncadd.s32 $0xFFFFD800  }
0x183: {  	[hbm4b:s7+s17] =	stream.strided.scatter [tilespmem:s14], [sflag:$0x2], $0x2800, s18, s17, $0x38;
	[tilespmem:$0x19700] =	vst v63  }
0x184: {  	_ =	swait.ge [sflag:s13], $0x2800  }
0x185: {  	[sflag:s13] =	ssyncset.done $0x0  }
0x186: {  	s0 =	simm.s32 $0x1400;
	s1 =	simm.s32 $0x14000;
	[sflag:s13] =	ssyncadd.s32 $0xFFFFD800  }
0x187: {  	s2 =	simm.s32 $0x14200;
	s29 =	simm.s32 $0x0;
	[bflag:$0x0] =	sbarrier.arrive $0xFFFF  }
0x188: {  	[tilespmem:s2], [sflag:$0x2] =	stream.strided.gather [spmem:s8], $0x2800, s1, s0, $0x38;
	[tilespmem:$0x19700] =	vst v63  }
0x189: {  	s1 =	sand.u32 $0x1C00, s29;
	s0 =	sand.u32 $0x60, s29;
	_ =	swait.ge [sflag:s13], $0x2800  }
0x18a: {  	s26 =	sor.u32 $0x14200, s1;
	s28 =	sor.u32 $0x10, s0;
	[sflag:s13] =	ssyncset.done $0x0  }
0x18b: {  	s3 =	sor.u32 s28, s26;
	[sflag:s13] =	ssyncadd.s32 $0xFFFFD800  }
0x18c: {  	v4 =	vld [tilespmem:s3+$0x0]  }
0x18d: {  	s2 =	sor.u32 s0, s26;
	v5 =	vld [tilespmem:s3+$0x80]  }
0x18e: {  	v9 =	vld [tilespmem:s2+$0x0]  }
0x18f: {  	v13 =	vld [tilespmem:s3+$0x100]  }
0x190: {  	v14 =	vld [tilespmem:s2+$0x80]  }
0x191: {  	v15 =	vld [tilespmem:s3+$0x180]  }
0x192: {  	v16 =	vld [tilespmem:s2+$0x100]  }
0x193: {  	v17 =	vld [tilespmem:s3+$0x200]  }
0x194: {  	v18 =	vld [tilespmem:s2+$0x180]  }
0x195: {  	v19 =	vld [tilespmem:s3+$0x280]  }
0x196: {  	v20 =	vld [tilespmem:s2+$0x200]  }
0x197: {  	v21 =	vld [tilespmem:s3+$0x300]  }
0x198: {  	v22 =	vld [tilespmem:s2+$0x280]  }
0x199: {  	s12 =	sadd.s32 $0x15600, s1;
	v23 =	vld [tilespmem:s3+$0x380]  }
0x19a: {  	s4 =	sor.u32 s28, s12;
	v24 =	vld [tilespmem:s2+$0x300]  }
0x19b: {  	s19 =	sadd.s32 $0x15680, s1;
	v25 =	vld [tilespmem:s4+$0x0]  }
0x19c: {  	s5 =	sor.u32 s28, s19;
	v26 =	vld [tilespmem:s2+$0x380]  }
0x19d: {  	s21 =	sadd.s32 $0x15700, s1;
	s20 =	sor.u32 s0, s12;
	v27 =	vld [tilespmem:s5+$0x0]  }
0x19e: {  	s22 =	sor.u32 s28, s21;
	v12 =	vld [tilespmem:s20+$0x0]  }
0x19f: {  	s25 =	sor.u32 s0, s19;
	s26 =	sadd.s32 $0x15780, s1;
	v28 =	vld [tilespmem:s22+$0x0]  }
0x1a0: {  	v11 =	vld [tilespmem:s25+$0x0];
	s3 =	sor.u32 s28, s26  }
0x1a1: {  	s4 =	sor.u32 s0, s21;
	v29 =	vld [tilespmem:s3+$0x0]  }
0x1a2: {  	s5 =	sadd.s32 $0x15800, s1;
	s21 =	sor.u32 s0, s26;
	v10 =	vld [tilespmem:s4+$0x0]  }
0x1a3: {  	s22 =	sadd.s32 $0x15880, s1;
	s20 =	sor.u32 s28, s5;
	v8 =	vld [tilespmem:s21+$0x0]  }
0x1a4: {  	s25 =	sor.u32 s28, s22;
	v30 =	vld [tilespmem:s20+$0x0]  }
0x1a5: {  	s26 =	sor.u32 s0, s5;
	v31 =	vld [tilespmem:s25+$0x0]  }
0x1a6: {  	s12 =	sadd.s32 $0x15980, s1;
	s19 =	sor.u32 s0, s22;
	v7 =	vld [tilespmem:s26+$0x0]  }
0x1a7: {  	s21 =	sor.u32 s28, s12;
	s20 =	sadd.s32 $0x15900, s1;
	v6 =	vld [tilespmem:s19+$0x0]  }
0x1a8: {  	s31 =	simm.s32 $0x20;
	s5 =	simm.s32 $0x100;
	v33 =	vld [tilespmem:s21+$0x0];
	s4 =	sor.u32 s28, s20  }
0x1a9: {  	s30 =	sand.u32 $0x60, s31;
	s2 =	sand.u32 $0x1C00, s5;
	s22 =	sor.u32 s0, s20;
	v32 =	vld [tilespmem:s4+$0x0]  }
0x1aa: {  	s1 =	sor.u32 $0x10, s30;
	s25 =	sor.u32 $0x14200, s2;
	s0 =	sor.u32 s0, s12;
	v3 =	vld [tilespmem:s22+$0x0]  }
0x1ab: {  	s26 =	sor.u32 s1, s25;
	v57 =	vld [tilespmem:s0+$0x0]  }
0x1ac: {  	v34 =	vld [tilespmem:s26+$0x0]  }
0x1ad: {  	s19 =	sor.u32 s30, s25;
	v35 =	vld [tilespmem:s26+$0x80]  }
0x1ae: {  	v36 =	vld [tilespmem:s19+$0x0]  }
0x1af: {  	v37 =	vld [tilespmem:s26+$0x100];
	v4 =	vadd.f32 v5, v4  }
0x1b0: {  	v38 =	vld [tilespmem:s19+$0x80]  }
0x1b1: {  	v5 =	vld [tilespmem:s26+$0x180];
	v4 =	vadd.f32 v13, v4  }
0x1b2: {  	v39 =	vld [tilespmem:s19+$0x100]  }
0x1b3: {  	v40 =	vld [tilespmem:s26+$0x200];
	v4 =	vadd.f32 v15, v4  }
0x1b4: {  	v41 =	vld [tilespmem:s26+$0x280]  }
0x1b5: {  	v48 =	vld [tilespmem:s19+$0x200];
	v4 =	vadd.f32 v17, v4  }
0x1b6: {  	v42 =	vld [tilespmem:s26+$0x300]  }
0x1b7: {  	s4 =	sadd.s32 $0x15600, s2;
	v49 =	vld [tilespmem:s19+$0x280];
	v4 =	vadd.f32 v19, v4  }
0x1b8: {  	s25 =	sadd.s32 $0x15700, s2;
	v43 =	vld [tilespmem:s26+$0x380];
	s5 =	sor.u32 s1, s4  }
0x1b9: {  	s26 =	sor.u32 s1, s25;
	v44 =	vld [tilespmem:s5+$0x0];
	v4 =	vadd.f32 v21, v4  }
0x1ba: {  	v9 =	vadd.f32 v14, v9;
	v14 =	vld [tilespmem:s26+$0x0]  }
0x1bb: {  	v15 =	vld [tilespmem:s19+$0x180];
	v4 =	vadd.f32 v23, v4  }
0x1bc: {  	s21 =	sadd.s32 $0x15680, s2;
	v21 =	vld [tilespmem:s19+$0x300]  }
0x1bd: {  	v23 =	vld [tilespmem:s19+$0x380];
	s19 =	sor.u32 s1, s21;
	v4 =	vadd.f32 v25, v4  }
0x1be: {  	s22 =	sor.u32 s30, s4;
	s5 =	sadd.s32 $0x15780, s2;
	v9 =	vadd.f32 v16, v9;
	v45 =	vld [tilespmem:s19+$0x0]  }
0x1bf: {  	s19 =	sor.u32 s1, s5;
	v25 =	vld [tilespmem:s22+$0x0];
	v4 =	vadd.f32 v27, v4  }
0x1c0: {  	s4 =	sor.u32 s30, s21;
	v9 =	vadd.f32 v18, v9;
	s22 =	sor.u32 s30, s25;
	s25 =	sadd.s32 $0x15800, s2;
	v50 =	vld [tilespmem:s19+$0x0]  }
0x1c1: {  	v51 =	vadd.f32 v35, v34;
	s26 =	sor.u32 s1, s25;
	v27 =	vld [tilespmem:s4+$0x0];
	v4 =	vadd.f32 v28, v4  }
0x1c2: {  	v20 =	vadd.f32 v20, v9;
	s20 =	sor.u32 s30, s25;
	v18 =	vld [tilespmem:s26+$0x0]  }
0x1c3: {  	s4 =	sor.u32 s30, s5;
	v9 =	vld [tilespmem:s20+$0x0];
	v4 =	vadd.f32 v29, v4;
	v29 =	vadd.f32 v37, v51  }
0x1c4: {  	v20 =	vadd.f32 v22, v20;
	s5 =	sadd.s32 $0x15880, s2;
	v13 =	vld [tilespmem:s4+$0x0]  }
0x1c5: {  	s19 =	sor.u32 s1, s5;
	v28 =	vld [tilespmem:s22+$0x0];
	s22 =	sadd.s32 $0x15900, s2;
	v4 =	vadd.f32 v30, v4;
	v5 =	vadd.f32 v5, v29  }
0x1c6: {  	s3 =	simm.s32 $0x200;
	v20 =	vadd.f32 v24, v20;
	s20 =	sadd.s32 $0x15980, s2;
	v52 =	vld [tilespmem:s19+$0x0];
	s25 =	sor.u32 s1, s22  }
0x1c7: {  	s4 =	sor.u32 s1, s20;
	s2 =	sand.u32 $0x1C00, s3;
	v53 =	vld [tilespmem:s25+$0x0];
	s25 =	simm.s32 $0x40;
	v30 =	vadd.f32 v31, v4;
	v56 =	vadd.f32 v40, v5  }
0x1c8: {  	v20 =	vadd.f32 v26, v20;
	s26 =	sor.u32 s30, s5;
	v54 =	vld [tilespmem:s4+$0x0];
	s12 =	sor.u32 $0x14200, s2;
	s19 =	sand.u32 $0x60, s25  }
0x1c9: {  	s3 =	sor.u32 s19, s12;
	v4 =	vld [tilespmem:s26+$0x0];
	s26 =	sor.u32 $0x10, s19;
	v55 =	vadd.f32 v32, v30;
	v30 =	vadd.f32 v41, v56  }
0x1ca: {  	v12 =	vadd.f32 v12, v20;
	s5 =	sor.u32 s30, s22;
	v62 =	vld [tilespmem:s3+$0x0];
	s22 =	sor.u32 s26, s12  }
0x1cb: {  	v58 =	vld [tilespmem:s22+$0x0];
	v29 =	vadd.f32 v33, v55;
	v61 =	vadd.f32 v42, v30  }
0x1cc: {  	v59 =	vld [tilespmem:s22+$0x80]  }
0x1cd: {  	v11 =	vadd.f32 v11, v12;
	v51 =	vld [tilespmem:s3+$0x300];
	v60 =	vmax.f32 v29, $1.000000000e+00;
	v29 =	vadd.f32 v43, v61  }
0x1ce: {  	v40 =	vadd.f32 v38, v36;
	v41 =	vld [tilespmem:s22+$0x100];
	v63 =	vshrl.u32 v60, $0x1;
	v20 =	vmul.f32 $5.000000000e-01, v60  }
0x1cf: {  	v5 =	vld [tilespmem:s5+$0x0];
	v33 =	vsub.s32 $0x5F3759DF, v63;
	v29 =	vadd.f32 v44, v29  }
0x1d0: {  	v10 =	vadd.f32 v10, v11;
	v35 =	vadd.f32 v39, v40;
	v43 =	vld [tilespmem:s22+$0x180];
	v12 =	vmul.f32 v33, v20  }
0x1d1: {  	v46 =	vld [tilespmem:s22+$0x280];
	v31 =	vadd.f32 v59, v58;
	v29 =	vadd.f32 v45, v29  }
0x1d2: {  	v8 =	vadd.f32 v8, v10;
	v11 =	vmul.f32 v33, v12;
	v12 =	vadd.f32 v15, v35;
	v15 =	vld [tilespmem:s22+$0x200]  }
0x1d3: {  	v42 =	vld [tilespmem:s3+$0x80];
	v31 =	vadd.f32 v41, v31;
	v14 =	vadd.f32 v14, v29  }
0x1d4: {  	v44 =	vld [tilespmem:s3+$0x100];
	v11 =	vsub.f32 $1.500000000e+00, v11;
	v12 =	vadd.f32 v48, v12  }
0x1d5: {  	v45 =	vld [tilespmem:s3+$0x180];
	v47 =	vadd.f32 v43, v31;
	v14 =	vadd.f32 v50, v14  }
0x1d6: {  	v7 =	vadd.f32 v7, v8;
	v10 =	vmul.f32 v33, v11;
	v11 =	vadd.f32 v49, v12;
	v12 =	vld [tilespmem:s22+$0x300]  }
0x1d7: {  	v48 =	vld [tilespmem:s3+$0x200];
	v15 =	vadd.f32 v15, v47;
	v14 =	vadd.f32 v18, v14  }
0x1d8: {  	s4 =	sadd.s32 $0x15600, s2;
	v6 =	vadd.f32 v6, v7;
	v50 =	vld [tilespmem:s22+$0x380];
	v8 =	vmul.f32 v10, v20;
	v11 =	vadd.f32 v21, v11  }
0x1d9: {  	s21 =	sadd.s32 $0x15680, s2;
	s5 =	sor.u32 s26, s4;
	v49 =	vld [tilespmem:s3+$0x280];
	v15 =	vadd.f32 v46, v15;
	v14 =	vadd.f32 v52, v14  }
0x1da: {  	v3 =	vadd.f32 v3, v6;
	s22 =	sor.u32 s26, s21;
	v7 =	vmul.f32 v8, v10;
	v8 =	vadd.f32 v23, v11;
	v11 =	vld [tilespmem:s5+$0x0]  }
0x1db: {  	v52 =	vld [tilespmem:s22+$0x0];
	v12 =	vadd.f32 v12, v15;
	v14 =	vadd.f32 v53, v14  }
0x1dc: {  	v15 =	vld [tilespmem:s3+$0x380];
	s3 =	sor.u32 s19, s4;
	s4 =	sadd.s32 $0x15700, s2;
	v7 =	vsub.f32 $1.500000000e+00, v7;
	v8 =	vadd.f32 v25, v8  }
0x1dd: {  	v3 =	vadd.f32 v57, v3;
	s22 =	sadd.s32 $0x15780, s2;
	v53 =	vld [tilespmem:s3+$0x0];
	s5 =	sor.u32 s26, s4;
	v12 =	vadd.f32 v50, v12  }
0x1de: {  	s3 =	sor.u32 s26, s22;
	v7 =	vmul.f32 v7, v10;
	v6 =	vadd.f32 v27, v8;
	v8 =	vld [tilespmem:s5+$0x0];
	v10 =	vadd.f32 v54, v14  }
0x1df: {  	s4 =	sor.u32 s19, s4;
	v55 =	vld [tilespmem:s3+$0x0];
	v54 =	vadd.f32 v42, v62;
	v11 =	vadd.f32 v11, v12  }
0x1e0: {  	s12 =	sadd.s32 $0x15800, s2;
	v3 =	vmax.f32 v3, $1.000000000e+00;
	s22 =	sor.u32 s19, s22;
	v56 =	vld [tilespmem:s4+$0x0];
	v12 =	vmul.f32 v7, v20;
	v6 =	vadd.f32 v28, v6  }
0x1e1: {  	v59 =	vld [tilespmem:s22+$0x0];
	s5 =	sor.u32 s26, s12;
	v10 =	vmax.f32 v10, $1.000000000e+00;
	v20 =	vadd.f32 v44, v54;
	v11 =	vadd.f32 v52, v11  }
0x1e2: {  	s21 =	sor.u32 s19, s21;
	s4 =	sadd.s32 $0x15880, s2;
	v58 =	vld [tilespmem:s5+$0x0];
	v57 =	vshrl.u32 v10, $0x1;
	v10 =	vmul.f32 $5.000000000e-01, v10;
	v6 =	vadd.f32 v13, v6  }
0x1e3: {  	v14 =	vld [tilespmem:s21+$0x0];
	s5 =	sor.u32 s26, s4;
	v13 =	vsub.s32 $0x5F3759DF, v57;
	v20 =	vadd.f32 v45, v20;
	v8 =	vadd.f32 v8, v11  }
0x1e4: {  	v61 =	vshrl.u32 v3, $0x1;
	s22 =	sor.u32 s19, s12;
	s12 =	sadd.s32 $0x15900, s2;
	v62 =	vmul.f32 $5.000000000e-01, v3;
	v60 =	vld [tilespmem:s5+$0x0];
	v11 =	vmul.f32 v13, v10  }
0x1e5: {  	v30 =	vsub.s32 $0x5F3759DF, v61;
	v63 =	vld [tilespmem:s22+$0x0];
	s3 =	sor.u32 s26, s12;
	v20 =	vadd.f32 v48, v20;
	v8 =	vadd.f32 v55, v8  }
0x1e6: {  	s2 =	sadd.s32 $0x15980, s2;
	s4 =	sor.u32 s19, s4;
	v32 =	vld [tilespmem:s3+$0x0];
	v9 =	vadd.f32 v9, v6;
	v6 =	vmul.f32 v30, v62;
	v11 =	vmul.f32 v13, v11  }
0x1e7: {  	s0 =	simm.s32 $0x60;
	s22 =	sor.u32 s26, s2;
	s5 =	simm.s32 $0x300;
	v3 =	vld [tilespmem:s4+$0x0];
	v8 =	vadd.f32 v58, v8  }
0x1e8: {  	s4 =	sor.u32 s19, s12;
	s12 =	sand.u32 $0x60, s0;
	v33 =	vld [tilespmem:s22+$0x0];
	s21 =	sand.u32 $0x1C00, s5;
	v16 =	vadd.f32 v49, v20;
	v34 =	vmul.f32 v30, v6;
	v11 =	vsub.f32 $1.500000000e+00, v11  }
0x1e9: {  	s20 =	sor.u32 s30, s20;
	s30 =	sor.u32 $0x10, s12;
	v12 =	vmul.f32 v12, v7;
	s5 =	sor.u32 $0x14200, s21;
	v6 =	vld [tilespmem:s4+$0x0];
	v4 =	vadd.f32 v4, v9;
	v8 =	vadd.f32 v60, v8  }
0x1ea: {  	s4 =	sor.u32 s30, s5;
	v35 =	vsub.f32 $1.500000000e+00, v34;
	v9 =	vmul.f32 v13, v11;
	v11 =	vadd.f32 v51, v16;
	v13 =	vld [tilespmem:s20+$0x0]  }
0x1eb: {  	v12 =	vsub.f32 $1.500000000e+00, v12;
	v36 =	vld [tilespmem:s4+$0x0];
	v8 =	vadd.f32 v32, v8  }
0x1ec: {  	v4 =	vadd.f32 v5, v4;
	v5 =	vmul.f32 v30, v35;
	v11 =	vadd.f32 v15, v11;
	v15 =	vld [tilespmem:s4+$0x80]  }
0x1ed: {  	v39 =	vld [tilespmem:s4+$0x100];
	s20 =	sor.u32 s12, s5;
	v37 =	vmul.f32 v9, v10;
	v8 =	vadd.f32 v33, v8  }
0x1ee: {  	v7 =	vmul.f32 v12, v7;
	v38 =	vld [tilespmem:s20+$0x0];
	v40 =	vmul.f32 v5, v62;
	v11 =	vadd.f32 v53, v11  }
0x1ef: {  	v41 =	vld [tilespmem:s20+$0x80];
	v12 =	vmul.f32 v37, v9;
	v4 =	vadd.f32 v13, v4;
	v8 =	vmax.f32 v8, $1.000000000e+00  }
0x1f0: {  	v13 =	vld [tilespmem:s4+$0x180];
	v11 =	vadd.f32 v14, v11;
	v14 =	vshrl.u32 v8, $0x1;
	v42 =	vmul.f32 $5.000000000e-01, v8  }
0x1f1: {  	v8 =	vld [tilespmem:s20+$0x100];
	v15 =	vadd.f32 v15, v36;
	v4 =	vmax.f32 v4, $1.000000000e+00;
	v14 =	vsub.s32 $0x5F3759DF, v14  }
0x1f2: {  	v43 =	vld [tilespmem:s4+$0x200];
	v45 =	vshrl.u32 v4, $0x1;
	v46 =	vmul.f32 $5.000000000e-01, v4;
	v44 =	vmul.f32 v14, v42  }
0x1f3: {  	v4 =	vadd.f32 v56, v11;
	v11 =	vld [tilespmem:s20+$0x180];
	v15 =	vadd.f32 v39, v15;
	v47 =	vsub.s32 $0x5F3759DF, v45  }
0x1f4: {  	v48 =	vld [tilespmem:s4+$0x280];
	v16 =	vadd.f32 v41, v38;
	v50 =	vmul.f32 v47, v46;
	v49 =	vmul.f32 v14, v44  }
0x1f5: {  	v20 =	vmul.f32 v40, v5;
	v12 =	vsub.f32 $1.500000000e+00, v12;
	v13 =	vadd.f32 v13, v15;
	v15 =	vld [tilespmem:s20+$0x200]  }
0x1f6: {  	v51 =	vld [tilespmem:s4+$0x300];
	v8 =	vadd.f32 v8, v16;
	v24 =	vmul.f32 v47, v50;
	v22 =	vsub.f32 $1.500000000e+00, v49  }
0x1f7: {  	v52 =	vld [tilespmem:s20+$0x280];
	v9 =	vmul.f32 v12, v9;
	v12 =	vsub.f32 $1.500000000e+00, v20;
	v13 =	vadd.f32 v43, v13  }
0x1f8: {  	s3 =	sadd.s32 $0x15600, s21;
	v8 =	vadd.f32 v11, v8;
	v53 =	vsub.f32 $1.500000000e+00, v24;
	v11 =	vmul.f32 v14, v22;
	v14 =	vld [tilespmem:s4+$0x380]  }
0x1f9: {  	s5 =	sor.u32 s30, s3;
	v12 =	vmul.f32 v12, v5;
	v4 =	vadd.f32 v59, v4;
	v5 =	vadd.f32 v48, v13;
	v13 =	vld [tilespmem:s20+$0x300]  }
0x1fa: {  	s22 =	sadd.s32 $0x15680, s21;
	v8 =	vadd.f32 v15, v8;
	v15 =	vld [tilespmem:s5+$0x0];
	v54 =	vmul.f32 v47, v53;
	v55 =	vmul.f32 v11, v42  }
0x1fb: {  	v10 =	vmul.f32 v9, v10;
	v56 =	vadd.f32 v63, v4;
	v4 =	vld [tilespmem:s20+$0x380];
	s4 =	sor.u32 s30, s22;
	v5 =	vadd.f32 v51, v5  }
0x1fc: {  	s3 =	sor.u32 s12, s3;
	s20 =	sadd.s32 $0x15700, s21;
	v57 =	vld [tilespmem:s4+$0x0];
	v8 =	vadd.f32 v52, v8;
	v59 =	vmul.f32 v54, v46;
	v58 =	vmul.f32 v55, v11  }
0x1fd: {  	v10 =	vmul.f32 v10, v9;
	v60 =	vmul.f32 v12, v62;
	s5 =	sor.u32 s30, s20;
	v5 =	vadd.f32 v14, v5;
	v14 =	vld [tilespmem:s3+$0x0]  }
0x1fe: {  	s22 =	sor.u32 s12, s22;
	v8 =	vadd.f32 v13, v8;
	v13 =	vld [tilespmem:s5+$0x0];
	s3 =	sadd.s32 $0x15780, s21;
	v19 =	vmul.f32 v59, v54;
	v17 =	vsub.f32 $1.500000000e+00, v58  }
0x1ff: {  	v10 =	vsub.f32 $1.500000000e+00, v10;
	v21 =	vmul.f32 v60, v12;
	s4 =	sor.u32 s30, s3;
	v5 =	vadd.f32 v15, v5;
	v15 =	vld [tilespmem:s22+$0x0]  }
0x200: {  	s29 =	sand.u32 $0x380, s29;
	s20 =	sor.u32 s12, s20;
	v8 =	vadd.f32 v4, v8;
	v61 =	vld [tilespmem:s4+$0x0];
	s22 =	sadd.s32 $0x15800, s21;
	v4 =	vmul.f32 v17, v11;
	v11 =	vsub.f32 $1.500000000e+00, v19  }
0x201: {  	s19 =	sor.u32 s19, s2;
	v62 =	vmul.f32 v10, v9;
	v9 =	vsub.f32 $1.500000000e+00, v21;
	v63 =	vld [tilespmem:s20+$0x0];
	s20 =	sadd.s32 $0x15880, s21;
	s5 =	sor.u32 s30, s22;
	v10 =	vadd.f32 v57, v5  }
0x202: {  	s3 =	sor.u32 s12, s3;
	s4 =	sor.u32 s28, s29;
	s28 =	simm.s32 $0x16A00;
	v14 =	vadd.f32 v14, v8;
	v5 =	vmul.f32 v11, v54;
	v8 =	vld [tilespmem:s5+$0x0];
	v11 =	vmul.f32 v4, v42  }
0x203: {  	v3 =	vadd.f32 v3, v56;
	v12 =	vmul.f32 v9, v12;
	s29 =	sand.u32 $0x380, s31;
	v9 =	vld [tilespmem:s3+$0x0];
	s3 =	sor.u32 s30, s20;
	s31 =	simm.s32 $0x400;
	v13 =	vadd.f32 v13, v10  }
0x204: {  	s1 =	sor.u32 s1, s29;
	[tilespmem:s4+$0x16A00] =	vst v7;
	s4 =	sor.u32 s12, s22;
	s5 =	sadd.s32 $0x15900, s21;
	v10 =	vld [tilespmem:s3+$0x0];
	v7 =	vadd.f32 v15, v14;
	v15 =	vmul.f32 v11, v4;
	v18 =	vmul.f32 v5, v46  }
0x205: {  	v3 =	vadd.f32 v6, v3;
	s29 =	simm.s32 $0x6;
	[tilespmem:s28+$0x0] =	vst v12;
	s3 =	sor.u32 s12, s20;
	s20 =	sor.u32 s30, s5;
	v11 =	vld [tilespmem:s4+$0x0];
	v14 =	vadd.f32 v61, v13  }
0x206: {  	s22 =	sadd.s32 $0x15980, s21;
	[tilespmem:s1+$0x16A00] =	vst v62;
	s1 =	simm.s32 $0x60;
	s2 =	sor.u32 s12, s5;
	v12 =	vld [tilespmem:s20+$0x0];
	v13 =	vadd.f32 v63, v7;
	v6 =	vsub.f32 $1.500000000e+00, v15;
	v7 =	vmul.f32 v18, v5  }
.LBB2_25:
0x207: {  	s20 =	sand.u32 $0x1C00, s31;
	v15 =	vld [tilespmem:s3+$0x0];
	v8 =	vadd.f32 v8, v14;
	s3 =	sor.u32 s30, s22;
	s0 =	sadd.s32 $0x20, s0  }
0x208: {  	s4 =	sand.u32 $0x60, s0;
	s21 =	sor.u32 $0x14200, s20;
	v9 =	vadd.f32 v9, v13;
	v13 =	vld [tilespmem:s3+$0x0];
	v4 =	vmul.f32 v6, v4;
	s3 =	sand.u32 $0x380, s25;
	v6 =	vsub.f32 $1.500000000e+00, v7  }
0x209: {  	s29 =	sadd.s32 $0x2, s29;
	s5 =	sor.u32 $0x10, s4;
	v7 =	vld [tilespmem:s2+$0x0];
	v8 =	vadd.f32 v10, v8;
	s3 =	sor.u32 s26, s3  }
0x20a: {  	p2 =	slt.u32 s29, $0x26;
	s2 =	sor.u32 s4, s21;
	s21 =	sor.u32 s5, s21;
	v9 =	vadd.f32 v11, v9;
	v10 =	vld [tilespmem:s19+$0x0];
	[tilespmem:s3+$0x16A00] =	vst v4;
	v4 =	vmul.f32 v6, v5  }
0x20b: {  	s28 =	sadd.s32 $0x20, s28;
	s25 =	smov.u32 s1;
	s19 =	sor.u32 s12, s22;
	v5 =	vld [tilespmem:s21+$0x0];
	v6 =	vadd.f32 v12, v8  }
0x20c: {  	s1 =	smov.u32 s0;
	s26 =	smov.u32 s30;
	s12 =	smov.u32 s4;
	v8 =	vld [tilespmem:s21+$0x80];
	v9 =	vadd.f32 v15, v9;
	[tilespmem:s28+$0x0] =	vst v4  }
0x20d: {  	s30 =	smov.u32 s5;
	v4 =	vld [tilespmem:s2+$0x0];
	v6 =	vadd.f32 v13, v6  }
0x20e: {  	v11 =	vld [tilespmem:s21+$0x100];
	v7 =	vadd.f32 v7, v9  }
0x20f: {  	v9 =	vld [tilespmem:s2+$0x80];
	v6 =	vmax.f32 v6, $1.000000000e+00;
	v10 =	vadd.f32 v10, v3  }
0x210: {  	v12 =	vld [tilespmem:s21+$0x180];
	v13 =	vshrl.u32 v6, $0x1;
	v6 =	vmul.f32 $5.000000000e-01, v6;
	v3 =	vmov v7  }
0x211: {  	v7 =	vld [tilespmem:s2+$0x100];
	v5 =	vadd.f32 v8, v5;
	v8 =	vsub.s32 $0x5F3759DF, v13;
	v10 =	vmax.f32 v10, $1.000000000e+00  }
0x212: {  	v13 =	vld [tilespmem:s21+$0x200];
	v14 =	vmul.f32 v8, v6;
	v15 =	vshrl.u32 v10, $0x1;
	v16 =	vmul.f32 $5.000000000e-01, v10  }
0x213: {  	v10 =	vld [tilespmem:s2+$0x180];
	v5 =	vadd.f32 v11, v5;
	v11 =	vsub.s32 $0x5F3759DF, v15  }
0x214: {  	v4 =	vadd.f32 v9, v4;
	v9 =	vld [tilespmem:s21+$0x280];
	v14 =	vmul.f32 v8, v14;
	v15 =	vmul.f32 v11, v16  }
0x215: {  	v17 =	vld [tilespmem:s2+$0x200];
	v5 =	vadd.f32 v12, v5  }
0x216: {  	v4 =	vadd.f32 v7, v4;
	v7 =	vld [tilespmem:s21+$0x300];
	v12 =	vsub.f32 $1.500000000e+00, v14;
	v14 =	vmul.f32 v11, v15  }
0x217: {  	v15 =	vld [tilespmem:s2+$0x280];
	v5 =	vadd.f32 v13, v5  }
0x218: {  	s3 =	sadd.s32 $0x15600, s20;
	v4 =	vadd.f32 v10, v4;
	v10 =	vld [tilespmem:s21+$0x380];
	v8 =	vmul.f32 v8, v12;
	v12 =	vsub.f32 $1.500000000e+00, v14  }
0x219: {  	s4 =	sor.u32 s12, s3;
	s3 =	sor.u32 s30, s3;
	v13 =	vld [tilespmem:s2+$0x300];
	v5 =	vadd.f32 v9, v5  }
0x21a: {  	s5 =	sadd.s32 $0x15680, s20;
	v4 =	vadd.f32 v17, v4;
	v9 =	vld [tilespmem:s3+$0x0];
	v14 =	vmul.f32 v8, v6;
	v11 =	vmul.f32 v11, v12  }
0x21b: {  	s3 =	sor.u32 s30, s5;
	v12 =	vld [tilespmem:s2+$0x380];
	s2 =	sor.u32 s12, s5;
	v5 =	vadd.f32 v7, v5  }
0x21c: {  	s5 =	sadd.s32 $0x15700, s20;
	v4 =	vadd.f32 v15, v4;
	v7 =	vld [tilespmem:s3+$0x0];
	v14 =	vmul.f32 v14, v8;
	v15 =	vmul.f32 v11, v16  }
0x21d: {  	s3 =	sor.u32 s12, s5;
	v17 =	vld [tilespmem:s4+$0x0];
	v5 =	vadd.f32 v10, v5;
	s4 =	sor.u32 s30, s5  }
0x21e: {  	s5 =	sadd.s32 $0x15780, s20;
	v4 =	vadd.f32 v13, v4;
	v10 =	vld [tilespmem:s4+$0x0];
	v13 =	vsub.f32 $1.500000000e+00, v14;
	v14 =	vmul.f32 v15, v11  }
0x21f: {  	s4 =	sor.u32 s30, s5;
	v15 =	vld [tilespmem:s2+$0x0];
	s2 =	sor.u32 s12, s5;
	v5 =	vadd.f32 v9, v5  }
0x220: {  	s5 =	sadd.s32 $0x15800, s20;
	v9 =	vadd.f32 v12, v4;
	v12 =	vld [tilespmem:s4+$0x0];
	v4 =	vmul.f32 v13, v8;
	v13 =	vsub.f32 $1.500000000e+00, v14  }
0x221: {  	s4 =	sor.u32 s12, s5;
	v18 =	vld [tilespmem:s3+$0x0];
	v7 =	vadd.f32 v7, v5;
	s3 =	sor.u32 s30, s5  }
.Ltmp14:
0x222: {  	s5 =	sadd.s32 $0x15880, s20;
	v14 =	vadd.f32 v17, v9;
	v8 =	vld [tilespmem:s3+$0x0];
	v6 =	vmul.f32 v4, v6;
	v5 =	vmul.f32 v13, v11;
	(pc) =	sbr.rel @p2 .LBB2_25-.Ltmp14, $4  }
0x223: {  	s3 =	sor.u32 s12, s5;
	v9 =	vld [tilespmem:s2+$0x0];
	v7 =	vadd.f32 v10, v7;
	s2 =	sor.u32 s30, s5  }
0x224: {  	s5 =	sadd.s32 $0x15900, s20;
	v13 =	vadd.f32 v15, v14;
	v10 =	vld [tilespmem:s2+$0x0];
	v6 =	vmul.f32 v6, v4;
	v15 =	vmul.f32 v5, v16  }
0x225: {  	s2 =	sor.u32 s12, s5;
	v11 =	vld [tilespmem:s4+$0x0];
	v14 =	vadd.f32 v12, v7;
	s4 =	sor.u32 s30, s5  }
0x226: {  	s31 =	sadd.s32 $0x100, s31;
	s22 =	sadd.s32 $0x15980, s20;
	v13 =	vadd.f32 v18, v13;
	v12 =	vld [tilespmem:s4+$0x0];
	v6 =	vsub.f32 $1.500000000e+00, v6;
	v7 =	vmul.f32 v15, v5  }
0x227: {  	v15 =	vld [tilespmem:s3+$0x0]  }
0x228: {  	v45 =	vld [tilespmem:s2+$0x0]  }
0x229: {  	v8 =	vadd.f32 v8, v14;
	s0 =	sor.u32 s30, s22;
	v46 =	vld [tilespmem:s19+$0x0];
	v9 =	vadd.f32 v9, v13  }
0x22a: {  	v44 =	vld [tilespmem:s0+$0x0]  }
0x22b: {  	s22 =	sor.u32 s12, s22;
	v8 =	vadd.f32 v10, v8;
	v9 =	vadd.f32 v11, v9  }
0x22c: {  	v47 =	vld [tilespmem:s22+$0x0]  }
0x22d: {  	v8 =	vadd.f32 v12, v8;
	v9 =	vadd.f32 v15, v9  }
0x22e: {  	v3 =	vadd.f32 v46, v3  }
0x22f: {  	v8 =	vadd.f32 v44, v8;
	v9 =	vadd.f32 v45, v9  }
0x230: {  	v3 =	vmax.f32 v3, $1.000000000e+00  }
0x231: {  	v8 =	vmax.f32 v8, $1.000000000e+00;
	v50 =	vshrl.u32 v3, $0x1;
	v9 =	vadd.f32 v47, v9  }
0x232: {  	v3 =	vmul.f32 $5.000000000e-01, v3;
	v48 =	vshrl.u32 v8, $0x1;
	v8 =	vmul.f32 $5.000000000e-01, v8  }
0x233: {  	v12 =	vsub.s32 $0x5F3759DF, v50;
	v10 =	vsub.s32 $0x5F3759DF, v48;
	v9 =	vmax.f32 v9, $1.000000000e+00  }
0x234: {  	v52 =	vmul.f32 v12, v3;
	v51 =	vshrl.u32 v9, $0x1;
	v9 =	vmul.f32 $5.000000000e-01, v9  }
0x235: {  	v49 =	vmul.f32 v10, v8;
	v13 =	vsub.s32 $0x5F3759DF, v51  }
0x236: {  	v14 =	vmul.f32 v12, v52;
	v53 =	vmul.f32 v13, v9  }
0x237: {  	v11 =	vmul.f32 v10, v49  }
0x238: {  	v14 =	vsub.f32 $1.500000000e+00, v14;
	v15 =	vmul.f32 v13, v53  }
0x239: {  	v11 =	vsub.f32 $1.500000000e+00, v11  }
0x23a: {  	v12 =	vmul.f32 v12, v14;
	v54 =	vsub.f32 $1.500000000e+00, v15  }
0x23b: {  	v10 =	vmul.f32 v10, v11  }
0x23c: {  	v56 =	vmul.f32 v12, v3;
	v11 =	vmul.f32 v13, v54  }
0x23d: {  	v55 =	vmul.f32 v10, v8  }
0x23e: {  	v13 =	vmul.f32 v56, v12;
	v57 =	vmul.f32 v11, v9  }
0x23f: {  	v14 =	vmul.f32 v55, v10  }
0x240: {  	v13 =	vsub.f32 $1.500000000e+00, v13;
	v15 =	vmul.f32 v57, v11  }
0x241: {  	v14 =	vsub.f32 $1.500000000e+00, v14  }
0x242: {  	v12 =	vmul.f32 v13, v12;
	v58 =	vsub.f32 $1.500000000e+00, v15  }
0x243: {  	v10 =	vmul.f32 v14, v10  }
0x244: {  	v3 =	vmul.f32 v12, v3;
	v11 =	vmul.f32 v58, v11  }
0x245: {  	v8 =	vmul.f32 v10, v8  }
0x246: {  	v3 =	vmul.f32 v3, v12;
	v9 =	vmul.f32 v11, v9  }
0x247: {  	v7 =	vsub.f32 $1.500000000e+00, v7;
	v8 =	vmul.f32 v8, v10  }
0x248: {  	s25 =	sand.u32 $0x380, s25;
	v4 =	vmul.f32 v6, v4;
	v3 =	vsub.f32 $1.500000000e+00, v3;
	v60 =	vmul.f32 v9, v11  }
0x249: {  	s0 =	sor.u32 s26, s25;
	v5 =	vmul.f32 v7, v5;
	v59 =	vsub.f32 $1.500000000e+00, v8  }
0x24a: {  	s29 =	sadd.s32 $0x20, s28;
	[tilespmem:s0+$0x16A00] =	vst v4;
	v3 =	vmul.f32 v3, v12;
	v62 =	vsub.f32 $1.500000000e+00, v60  }
0x24b: {  	s1 =	sand.u32 $0x380, s1;
	s0 =	sadd.s32 $0x20, s29;
	[tilespmem:s29+$0x0] =	vst v5;
	v61 =	vmul.f32 v59, v10  }
0x24c: {  	s1 =	sor.u32 s30, s1;
	[tilespmem:s0+$0x0] =	vst v3;
	v63 =	vmul.f32 v62, v11  }
0x24d: {  	s0 =	sadd.s32 $0x20, s0;
	[tilespmem:s1+$0x16A00] =	vst v61  }
0x24e: {  	s31 =	simm.s32 $0x16A00;
	[tilespmem:s0+$0x0] =	vst v63  }
0x24f: {  	[spmem:s9] =	stream.linear.scatter [tilespmem:s31], [sflag:$0x2], $0x280, $0x38;
	[tilespmem:$0x19700] =	vst v63  }
0x250: {  	_ =	swait.ge [sflag:s13], $0x280  }
0x251: {  	[sflag:s13] =	ssyncset.done $0x0  }
0x252: {  	s0 =	simm.s32 $0xCA40;
	[sflag:s13] =	ssyncadd.s32 $0xFFFFFD80  }
0x253: {  	[tilespmem:s0+$0xFFFFFFC0] =	vst v0  }
0x254: {  	[tilespmem:s0+$0x30] =	vst v0  }
0x255: {  	[tilespmem:s0+$0x20] =	vst v0  }
0x256: {  	[tilespmem:s0+$0x10] =	vst v0  }
0x257: {  	[tilespmem:s0+$0x0] =	vst v0  }
0x258: {  	[tilespmem:s0+$0xFFFFFFF0] =	vst v0  }
0x259: {  	s1 =	simm.s32 $0x0;
	[tilespmem:s0+$0xFFFFFFE0] =	vst v0  }
.LBB2_27:
0x25a: {  	s1 =	sadd.s32 $0x8, s1;
	[tilespmem:s0+$0xFFFFFFD0] =	vst v0;
	s0 =	sadd.s32 $0x80, s0  }
0x25b: {  	[tilespmem:s0+$0xFFFFFFC0] =	vst v0;
	p2 =	slt.u32 s1, $0x278  }
0x25c: {  	[tilespmem:s0+$0x30] =	vst v0  }
.Ltmp15:
0x25d: {  	[tilespmem:s0+$0x20] =	vst v0;
	(pc) =	sbr.rel @p2 .LBB2_27-.Ltmp15, $4  }
0x25e: {  	[tilespmem:s0+$0x10] =	vst v0  }
0x25f: {  	[tilespmem:s0+$0x0] =	vst v0  }
0x260: {  	[tilespmem:s0+$0xFFFFFFF0] =	vst v0  }
0x261: {  	[tilespmem:s0+$0xFFFFFFE0] =	vst v0  }
0x262: {  	[tilespmem:s0+$0xFFFFFFD0] =	vst v0  }
0x263: {  	[bflag:$0x0] =	sbarrier.arrive $0xFFFF  }
.Ltmp16:
0x264: {  	s31 =	rddreg [dreg:$0x3];
	(pc) =	sbr.rel @p0 .LBB2_32-.Ltmp16, $4  }
0x265: {  	[tilespmem:s23], [sflag:$0x2] =	stream.linear.gather [spmem:s31], $0x2800, $0x38;
	[tilespmem:$0x19700] =	vst v63  }
0x266: {  	_ =	swait.ge [sflag:s13], $0x2800  }
0x267: {  	[sflag:s13] =	ssyncset.done $0x0  }
0x268: {  	s0 =	simm.s32 $0x80;
	[sflag:s13] =	ssyncadd.s32 $0xFFFFD800  }
0x269: {  	v3 =	vld [tilespmem:s0+$0x70]  }
0x26a: {  	v4 =	vld [tilespmem:s0+$0x10]  }
0x26b: {  	v5 =	vld [tilespmem:s0+$0x20]  }
0x26c: {  	v6 =	vld [tilespmem:s0+$0x30]  }
0x26d: {  	v7 =	vld [tilespmem:s0+$0x40]  }
0x26e: {  	v8 =	vld [tilespmem:s0+$0x50]  }
0x26f: {  	v9 =	vld [tilespmem:s0+$0xFFFFFFF0]  }
0x270: {  	v10 =	vld [tilespmem:s0+$0x60]  }
0x271: {  	v11 =	vld [tilespmem:s0+$0x0]  }
0x272: {  	v63 =	vld [tilespmem:s0+$0xFFFFFF80]  }
0x273: {  	v13 =	vld [tilespmem:s0+$0xFFFFFF90]  }
0x274: {  	v14 =	vld [tilespmem:s0+$0xFFFFFFA0]  }
0x275: {  	v15 =	vld [tilespmem:s0+$0xFFFFFFB0]  }
0x276: {  	v16 =	vld [tilespmem:s0+$0xFFFFFFC0]  }
0x277: {  	v17 =	vld [tilespmem:s0+$0xFFFFFFD0]  }
0x278: {  	v3 =	vld.idx.msk [tilespmem:v3+s23+$0x0], $0xffff  }
0x279: {  	v12 =	vld.idx.msk [tilespmem:v4+s23+$0x0], $0xffff  }
0x27a: {  	v5 =	vld.idx.msk [tilespmem:v5+s23+$0x0], $0xffff  }
0x27b: {  	v6 =	vld.idx.msk [tilespmem:v6+s23+$0x0], $0xffff  }
0x27c: {  	v7 =	vld.idx.msk [tilespmem:v7+s23+$0x0], $0xffff  }
0x27d: {  	v62 =	vld.idx.msk [tilespmem:v11+s23+$0x0], $0xffff  }
0x27e: {  	v8 =	vld.idx.msk [tilespmem:v8+s23+$0x0], $0xffff  }
0x27f: {  	v4 =	vld [tilespmem:s0+$0xFFFFFFE0]  }
0x280: {  	[tilespmem:v9+s14+$0x0] =	vst.idx.add.f32.msk $0xffff, v3  }
0x281: {  	v3 =	vld.idx.msk [tilespmem:v10+s23+$0x0], $0xffff  }
0x282: {  	[tilespmem:v63+s14+$0x0] =	vst.idx.add.f32.msk $0xffff, v62  }
0x283: {  	[tilespmem:v13+s14+$0x0] =	vst.idx.add.f32.msk $0xffff, v12  }
0x284: {  	[tilespmem:v14+s14+$0x0] =	vst.idx.add.f32.msk $0xffff, v5  }
0x285: {  	[tilespmem:v15+s14+$0x0] =	vst.idx.add.f32.msk $0xffff, v6  }
0x286: {  	[tilespmem:v16+s14+$0x0] =	vst.idx.add.f32.msk $0xffff, v7  }
0x287: {  	s1 =	simm.s32 $0x180;
	s0 =	simm.s32 $0x0;
	[tilespmem:v17+s14+$0x0] =	vst.idx.add.f32.msk $0xffff, v8  }
.LBB2_30:
0x288: {  	v5 =	vld [tilespmem:s1+$0x70];
	s0 =	sadd.s32 $0x8, s0  }
0x289: {  	v6 =	vld [tilespmem:s1+$0x10];
	p2 =	slt.u32 s0, $0x320  }
0x28a: {  	v7 =	vld [tilespmem:s1+$0x20]  }
0x28b: {  	v8 =	vld [tilespmem:s1+$0x30]  }
0x28c: {  	v9 =	vld [tilespmem:s1+$0x40]  }
0x28d: {  	v10 =	vld [tilespmem:s1+$0x50]  }
0x28e: {  	v11 =	vld [tilespmem:s1+$0xFFFFFFF0]  }
0x28f: {  	v12 =	vld [tilespmem:s1+$0x60]  }
0x290: {  	v5 =	vld.idx.msk [tilespmem:v5+s23+$0x0], $0xffff  }
0x291: {  	v13 =	vld [tilespmem:s1+$0x0]  }
0x292: {  	v6 =	vld.idx.msk [tilespmem:v6+s23+$0x0], $0xffff  }
0x293: {  	v7 =	vld.idx.msk [tilespmem:v7+s23+$0x0], $0xffff  }
0x294: {  	v8 =	vld.idx.msk [tilespmem:v8+s23+$0x0], $0xffff  }
0x295: {  	v9 =	vld.idx.msk [tilespmem:v9+s23+$0x0], $0xffff  }
0x296: {  	[tilespmem:v11+s14+$0x0] =	vst.idx.add.f32.msk $0xffff, v5  }
0x297: {  	v5 =	vld.idx.msk [tilespmem:v10+s23+$0x0], $0xffff  }
0x298: {  	v10 =	vld.idx.msk [tilespmem:v12+s23+$0x0], $0xffff  }
0x299: {  	v11 =	vld.idx.msk [tilespmem:v13+s23+$0x0], $0xffff  }
0x29a: {  	v12 =	vld [tilespmem:s1+$0xFFFFFF80]  }
0x29b: {  	v13 =	vld [tilespmem:s1+$0xFFFFFF90]  }
0x29c: {  	v14 =	vld [tilespmem:s1+$0xFFFFFFA0]  }
0x29d: {  	v15 =	vld [tilespmem:s1+$0xFFFFFFB0]  }
0x29e: {  	v16 =	vld [tilespmem:s1+$0xFFFFFFC0]  }
0x29f: {  	v17 =	vld [tilespmem:s1+$0xFFFFFFD0]  }
0x2a0: {  	v18 =	vld [tilespmem:s1+$0xFFFFFFE0]  }
0x2a1: {  	[tilespmem:v4+s14+$0x0] =	vst.idx.add.f32.msk $0xffff, v3;
	v3 =	vmov v10  }
0x2a2: {  	[tilespmem:v12+s14+$0x0] =	vst.idx.add.f32.msk $0xffff, v11  }
.Ltmp17:
0x2a3: {  	[tilespmem:v13+s14+$0x0] =	vst.idx.add.f32.msk $0xffff, v6;
	(pc) =	sbr.rel @p2 .LBB2_30-.Ltmp17, $4  }
0x2a4: {  	[tilespmem:v14+s14+$0x0] =	vst.idx.add.f32.msk $0xffff, v7  }
0x2a5: {  	[tilespmem:v15+s14+$0x0] =	vst.idx.add.f32.msk $0xffff, v8;
	v4 =	vmov v18  }
0x2a6: {  	[tilespmem:v16+s14+$0x0] =	vst.idx.add.f32.msk $0xffff, v9  }
0x2a7: {  	s1 =	sadd.s32 $0x100, s1;
	[tilespmem:v17+s14+$0x0] =	vst.idx.add.f32.msk $0xffff, v5  }
.Ltmp18:
0x2a8: {  	_ = 	snop;
	(pc) =	sbr.rel .LBB2_35-.Ltmp18, $2  }
0x2a9: {  	_ =	sdelay $0x2  }
0x2aa: {  	[tilespmem:v4+s14+$0x0] =	vst.idx.add.f32.msk $0xffff, v3  }
.LBB2_32:
0x2ab: {  	v3 =	vld [tilespmem:s0+$0x70]  }
0x2ac: {  	v4 =	vld [tilespmem:s0+$0x10]  }
0x2ad: {  	v5 =	vld [tilespmem:s0+$0x20]  }
0x2ae: {  	v6 =	vld [tilespmem:s0+$0x30]  }
0x2af: {  	v7 =	vld [tilespmem:s0+$0x40]  }
0x2b0: {  	v8 =	vld [tilespmem:s0+$0x50]  }
0x2b1: {  	v9 =	vld [tilespmem:s0+$0xFFFFFFF0]  }
0x2b2: {  	v10 =	vld [tilespmem:s0+$0x60]  }
0x2b3: {  	v11 =	vld [tilespmem:s0+$0x0]  }
0x2b4: {  	v63 =	vld [tilespmem:s0+$0xFFFFFF80]  }
0x2b5: {  	v13 =	vld [tilespmem:s0+$0xFFFFFF90]  }
0x2b6: {  	v14 =	vld [tilespmem:s0+$0xFFFFFFA0]  }
0x2b7: {  	v15 =	vld [tilespmem:s0+$0xFFFFFFB0]  }
0x2b8: {  	v16 =	vld [tilespmem:s0+$0xFFFFFFC0]  }
0x2b9: {  	v17 =	vld [tilespmem:s0+$0xFFFFFFD0]  }
0x2ba: {  	v3 =	vld.idx.msk [tilespmem:v3+s23+$0x0], $0xffff  }
0x2bb: {  	v12 =	vld.idx.msk [tilespmem:v4+s23+$0x0], $0xffff  }
0x2bc: {  	v5 =	vld.idx.msk [tilespmem:v5+s23+$0x0], $0xffff  }
0x2bd: {  	v6 =	vld.idx.msk [tilespmem:v6+s23+$0x0], $0xffff  }
0x2be: {  	v7 =	vld.idx.msk [tilespmem:v7+s23+$0x0], $0xffff  }
0x2bf: {  	v62 =	vld.idx.msk [tilespmem:v11+s23+$0x0], $0xffff  }
0x2c0: {  	v8 =	vld.idx.msk [tilespmem:v8+s23+$0x0], $0xffff  }
0x2c1: {  	v4 =	vld [tilespmem:s0+$0xFFFFFFE0]  }
0x2c2: {  	[tilespmem:v9+s14+$0x0] =	vst.idx.add.f32.msk $0xffff, v3  }
0x2c3: {  	v3 =	vld.idx.msk [tilespmem:v10+s23+$0x0], $0xffff  }
0x2c4: {  	[tilespmem:v63+s14+$0x0] =	vst.idx.add.f32.msk $0xffff, v62  }
0x2c5: {  	[tilespmem:v13+s14+$0x0] =	vst.idx.add.f32.msk $0xffff, v12  }
0x2c6: {  	[tilespmem:v14+s14+$0x0] =	vst.idx.add.f32.msk $0xffff, v5  }
0x2c7: {  	[tilespmem:v15+s14+$0x0] =	vst.idx.add.f32.msk $0xffff, v6  }
0x2c8: {  	[tilespmem:v16+s14+$0x0] =	vst.idx.add.f32.msk $0xffff, v7  }
0x2c9: {  	s1 =	simm.s32 $0x180;
	s0 =	simm.s32 $0x0;
	[tilespmem:v17+s14+$0x0] =	vst.idx.add.f32.msk $0xffff, v8  }
.LBB2_33:
0x2ca: {  	v5 =	vld [tilespmem:s1+$0x70];
	s0 =	sadd.s32 $0x8, s0  }
0x2cb: {  	v6 =	vld [tilespmem:s1+$0x10];
	p2 =	slt.u32 s0, $0x1B8  }
0x2cc: {  	v7 =	vld [tilespmem:s1+$0x20]  }
0x2cd: {  	v8 =	vld [tilespmem:s1+$0x30]  }
0x2ce: {  	v9 =	vld [tilespmem:s1+$0x40]  }
0x2cf: {  	v10 =	vld [tilespmem:s1+$0x50]  }
0x2d0: {  	v11 =	vld [tilespmem:s1+$0xFFFFFFF0]  }
0x2d1: {  	v12 =	vld [tilespmem:s1+$0x60]  }
0x2d2: {  	v5 =	vld.idx.msk [tilespmem:v5+s23+$0x0], $0xffff  }
0x2d3: {  	v13 =	vld [tilespmem:s1+$0x0]  }
0x2d4: {  	v6 =	vld.idx.msk [tilespmem:v6+s23+$0x0], $0xffff  }
0x2d5: {  	v7 =	vld.idx.msk [tilespmem:v7+s23+$0x0], $0xffff  }
0x2d6: {  	v8 =	vld.idx.msk [tilespmem:v8+s23+$0x0], $0xffff  }
0x2d7: {  	v9 =	vld.idx.msk [tilespmem:v9+s23+$0x0], $0xffff  }
0x2d8: {  	[tilespmem:v11+s14+$0x0] =	vst.idx.add.f32.msk $0xffff, v5  }
0x2d9: {  	v5 =	vld.idx.msk [tilespmem:v10+s23+$0x0], $0xffff  }
0x2da: {  	v10 =	vld.idx.msk [tilespmem:v12+s23+$0x0], $0xffff  }
0x2db: {  	v11 =	vld.idx.msk [tilespmem:v13+s23+$0x0], $0xffff  }
0x2dc: {  	v12 =	vld [tilespmem:s1+$0xFFFFFF80]  }
0x2dd: {  	v13 =	vld [tilespmem:s1+$0xFFFFFF90]  }
0x2de: {  	v14 =	vld [tilespmem:s1+$0xFFFFFFA0]  }
0x2df: {  	v15 =	vld [tilespmem:s1+$0xFFFFFFB0]  }
0x2e0: {  	v16 =	vld [tilespmem:s1+$0xFFFFFFC0]  }
0x2e1: {  	v17 =	vld [tilespmem:s1+$0xFFFFFFD0]  }
0x2e2: {  	v18 =	vld [tilespmem:s1+$0xFFFFFFE0]  }
0x2e3: {  	[tilespmem:v4+s14+$0x0] =	vst.idx.add.f32.msk $0xffff, v3;
	v3 =	vmov v10  }
0x2e4: {  	[tilespmem:v12+s14+$0x0] =	vst.idx.add.f32.msk $0xffff, v11  }
.Ltmp19:
0x2e5: {  	[tilespmem:v13+s14+$0x0] =	vst.idx.add.f32.msk $0xffff, v6;
	(pc) =	sbr.rel @p2 .LBB2_33-.Ltmp19, $4  }
0x2e6: {  	[tilespmem:v14+s14+$0x0] =	vst.idx.add.f32.msk $0xffff, v7  }
0x2e7: {  	[tilespmem:v15+s14+$0x0] =	vst.idx.add.f32.msk $0xffff, v8;
	v4 =	vmov v18  }
0x2e8: {  	[tilespmem:v16+s14+$0x0] =	vst.idx.add.f32.msk $0xffff, v9  }
0x2e9: {  	s1 =	sadd.s32 $0x100, s1;
	[tilespmem:v17+s14+$0x0] =	vst.idx.add.f32.msk $0xffff, v5  }
.Ltmp20:
0x2ea: {  	_ = 	snop;
	(pc) =	sbr.rel .LBB2_34-.Ltmp20, $1  }
0x2eb: {  	_ =	sdelay $0x3  }
.LBB2_36:
0x2ec: {  	_ =	sfence.sel $0x180000  }
0x2ed: {  	[bflag:$0x0] =	sbarrier.arrive $0xFFFF  }
0x2ee: {  	_ =	strace $0x90000047  }
0x2ef: {  	s0 =	stileid.u32;
	[bflag:$0x2] =	sbarrier.arrive $0xFFFF  }
0x2f0: {  	p0 =	sne.s32 s0, $0x0;
	s0 =	rddreg [dreg:$0x4]  }
0x2f1: {  	s0 =	sadd.s32 @!p0 $0x100000, s0  }
0x2f2: {  	[sflag:s0] =	ssyncadd.tile.s32 @!p0 $0x1;
	_ =	shalt  }
.Lfunc_end2:
_tile_overlayer_lowered:
.L_overlay_start_2:
0x2f3: {  	(tag) =	ssettag $0x2  }
0x2f4: {  	s0 =	rddreg [dreg:$0x0];
	s2 =	stileid.u32  }
0x2f5: {  	s1 =	rddreg [dreg:$0x1];
	p0 =	sne.s32 s2, $0x0  }
0x2f6: {  	s3 =	rddreg [dreg:$0x2];
	[bflag:$0x3] =	sbarrier.arrive $0xFFFF;
	s2 =	simm.s32 @!p0 $0x1C02  }
0x2f7: {  	[timem:s3], [sflag:s2] =	dma.local @!p0 [hbm:s0], s1  }
0x2f8: {  	s0 =	simm.s32 @!p0 $0x2  }
0x2f9: {  	_ =	swait.ge @!p0 [sflag:s0], s1  }
0x2fa: {  	s1 =	ssub.s32 @!p0 $0x0, s1;
	[sflag:s0] =	ssyncset.done @!p0 $0x0  }
0x2fb: {  	[sflag:s0] =	ssyncadd.s32 @!p0 s1  }
0x2fc: {  	[bflag:$0x3] =	sbarrier.arrive $0xFFFF  }
0x2fd: {  	_ =	shalt  }

</sc_bundles>
